<compile_context>
chip_gen: v7x
topology: tpu7x:2x2x1
jax: 0.10.2.dev20260603
libtpu: 0.0.44.dev20260713+nightly
codegen_flags: <defaults>
</compile_context>

<pallas_src>
import functools

import jax
import jax.numpy as jnp
from jax import lax
from jax.experimental import pallas as pl
from jax.experimental.pallas import tpu as pltpu
from jax.experimental.pallas import tpu_sc as plsc

N = 10000
E = 320000
D = 128

NC = 2
NS = 16
NW = NC * NS
CHUNK = 80
NBUF = 3
EPW = E // NW
NCHUNK = EPW // CHUNK
NACC = 10112
RPT = NACC // NS
LAST = N - 15 * RPT


def _sc_segment_sum(x, edges, zero_init):
    mesh = plsc.VectorSubcoreMesh(core_axis_name="c", subcore_axis_name="s")

    @functools.partial(
        pl.kernel,
        mesh=mesh,
        out_type=jax.ShapeDtypeStruct((2 * N, D), jnp.float32),
        scratch_types=[
            pltpu.VMEM((EPW,), jnp.int32),
            pltpu.VMEM_SHARED((NACC, D), jnp.float32),
        ]
        + [pltpu.VMEM((CHUNK, D), jnp.float32) for _ in range(NBUF)]
        + [pltpu.VMEM((CHUNK,), jnp.int32) for _ in range(NBUF)]
        + [pltpu.SemaphoreType.DMA for _ in range(3 * NBUF + 1)],
    )
    def k(x_hbm, e_hbm, zero_hbm, out_hbm, src_all, acc, *bufs):
        rows = bufs[:NBUF]
        dst_v = bufs[NBUF:2 * NBUF]
        gsem = bufs[2 * NBUF:3 * NBUF]
        dsem = bufs[3 * NBUF:4 * NBUF]
        ssem = bufs[4 * NBUF:5 * NBUF]
        zsem = bufs[5 * NBUF]
        c = lax.axis_index("c")
        s = lax.axis_index("s")
        w = s * NC + c

        zcopy = pltpu.async_copy(zero_hbm, acc.at[pl.ds(s * RPT, RPT)], zsem)
        ebase = w * EPW
        pltpu.sync_copy(e_hbm.at[pl.ds(ebase, EPW)], src_all)

        def start_chunk(j, u, reuse=True):
            if reuse:
                pltpu.make_async_copy(
                    rows[u], acc.at[dst_v[u]], ssem[u]).wait()
            base = pl.multiple_of(j * CHUNK, 8)
            pltpu.async_copy(e_hbm.at[pl.ds(E + ebase + base, CHUNK)],
                             dst_v[u], dsem[u])
            pltpu.async_copy(x_hbm.at[src_all.at[pl.ds(base, CHUNK)]],
                             rows[u], gsem[u])

        def finish_chunk(u):
            pltpu.make_async_copy(
                e_hbm.at[pl.ds(0, CHUNK)], dst_v[u], dsem[u]).wait()
            pltpu.make_async_copy(
                x_hbm.at[pl.ds(0, CHUNK)], rows[u], gsem[u]).wait()
            pltpu.async_copy(rows[u], acc.at[dst_v[u]], ssem[u], add=True)

        for u in range(NBUF):
            start_chunk(u, u, reuse=False)
        zcopy.wait()
        plsc.subcore_barrier()

        nfull = (NCHUNK - NBUF) // NBUF

        def body(i, carry):
            for u in range(NBUF):
                j = i * NBUF + u
                finish_chunk(u)
                start_chunk(j + NBUF, u)
            return carry

        lax.fori_loop(0, nfull, body, 0)
        for j in range(nfull * NBUF, NCHUNK):
            u = j % NBUF
            finish_chunk(u)
            if j + NBUF < NCHUNK:
                start_chunk(j + NBUF, u)
        for u in range(NBUF):
            pltpu.make_async_copy(rows[u], acc.at[dst_v[u]], ssem[u]).wait()
        plsc.subcore_barrier()

        @pl.when(s < NS - 1)
        def _():
            pltpu.sync_copy(acc.at[pl.ds(s * RPT, RPT)],
                            out_hbm.at[pl.ds(c * N + s * RPT, RPT)])

        @pl.when(s == NS - 1)
        def _():
            pltpu.sync_copy(acc.at[pl.ds((NS - 1) * RPT, LAST)],
                            out_hbm.at[pl.ds(c * N + (NS - 1) * RPT, LAST)])

    return k(x, edges, zero_init)


BM = 5000


def _tc_tail(x, partials, W, b2):
    def body(x_ref, p0_ref, p1_ref, w_ref, b_ref, o_ref):
        a = p0_ref[...] + p1_ref[...]
        h = jnp.dot(a, w_ref[...], preferred_element_type=jnp.float32)
        o_ref[...] = x_ref[...] + jnp.maximum(h + b_ref[...], 0.0)

    return pl.pallas_call(
        body,
        grid=(N // BM,),
        in_specs=[
            pl.BlockSpec((BM, D), lambda i: (i, 0)),
            pl.BlockSpec((BM, D), lambda i: (i, 0)),
            pl.BlockSpec((BM, D), lambda i: (i + N // BM, 0)),
            pl.BlockSpec((D, D), lambda i: (0, 0)),
            pl.BlockSpec((1, D), lambda i: (0, 0)),
        ],
        out_specs=pl.BlockSpec((BM, D), lambda i: (i, 0)),
        out_shape=jax.ShapeDtypeStruct((N, D), jnp.float32),
    )(x, partials, partials, W, b2)


def kernel(input, edge_index, cell_dropout, layer_dropout, node_lastlayer,
           stage1_flag, W, b):
    edges = edge_index.reshape(2 * E)
    zero_init = jnp.zeros((RPT, D), dtype=jnp.float32)

    partials = _sc_segment_sum(input, edges, zero_init)
    return _tc_tail(input, partials, W, b.reshape(1, D))

# --- scband reference (transcript-rebuilt; emitter-appended) ---
"""Pipeline reference for scband-mdcg-6270652252524 (READ-ONLY COPY).

The authoritative reference and input builder live on the scoring server;
editing this copy changes nothing except your own understanding.
"""

import jax, jax.numpy as jnp
import numpy as np
import math

N = 10000
E = 320000
D_IN = 128
D_OUT = 128


def setup_inputs(seed: int = 0) -> dict:
    key = jax.random.key(seed)
    k1, k2, k3, k4 = jax.random.split(key, 4)
    x = jax.random.normal(k1, (N, D_IN), dtype=jnp.float32)
    edge_index = jax.random.randint(k2, (2, E), 0, N, dtype=jnp.int32)
    node_lastlayer = jnp.ones((N, 1), dtype=jnp.float32)
    stdv = 1.0 / math.sqrt(D_OUT)
    W = jax.random.uniform(k3, (D_IN, D_OUT), minval=-stdv, maxval=stdv, dtype=jnp.float32)
    b = jax.random.uniform(k4, (D_OUT,), minval=-stdv, maxval=stdv, dtype=jnp.float32)
    return {
        'input': x,
        'edge_index': edge_index,
        'cell_dropout': 0,
        'layer_dropout': 1,
        'node_lastlayer': node_lastlayer,
        'stage1_flag': 1,
        'W': W,
        'b': b,
    }


def reference(input, edge_index, cell_dropout, layer_dropout, node_lastlayer, stage1_flag, W, b):
    # F.dropout with p=0 / eval mode -> identity
    x = input
    # support = x @ weight
    support = jnp.dot(x, W)
    # output = spmm(adj, support): adjacency given as COO edge_index with unit weights.
    # row i of output = sum over edges (i <- j) of support[j]
    src = edge_index[0]
    dst = edge_index[1]
    gathered = jnp.take(support, src, axis=0)
    agg = jax.ops.segment_sum(gathered, dst, num_segments=N)
    # + bias, relu
    out = jax.nn.relu(agg + b)
    # stage1_flag=True branch: residual add, node_choose=None
    out = input + out
    return out

if __name__ == "__main__":
    import jax
    _d = setup_inputs()
    print(jax.jit(kernel)(*tuple(_d.values())))

</pallas_src>

<mosaic_0001>
#map = affine_map<(d0, d1) -> (0, 0)>
#map1 = affine_map<(d0, d1) -> (0)>
module attributes {stable_mosaic.version = 14 : i64} {
  func.func @k(%arg0: i32, %arg1: i32, %arg2: memref<10000x128xf32, #tpu.memory_space<hbm>>, %arg3: memref<640000xi32, #tpu.memory_space<hbm>>, %arg4: memref<632x128xf32, #tpu.memory_space<hbm>>, %arg5: memref<20000x128xf32, #tpu.memory_space<hbm>>, %arg6: memref<10000xi32, #tpu.memory_space<vmem>>, %arg7: memref<10112x128xf32, #tpu.memory_space<vmem_shared>>, %arg8: memref<80x128xf32, #tpu.memory_space<vmem>>, %arg9: memref<80x128xf32, #tpu.memory_space<vmem>>, %arg10: memref<80x128xf32, #tpu.memory_space<vmem>>, %arg11: memref<80xi32, #tpu.memory_space<vmem>>, %arg12: memref<80xi32, #tpu.memory_space<vmem>>, %arg13: memref<80xi32, #tpu.memory_space<vmem>>, %arg14: memref<!tpu.dma_semaphore, #tpu.memory_space<semaphore_mem>>, %arg15: memref<!tpu.dma_semaphore, #tpu.memory_space<semaphore_mem>>, %arg16: memref<!tpu.dma_semaphore, #tpu.memory_space<semaphore_mem>>, %arg17: memref<!tpu.dma_semaphore, #tpu.memory_space<semaphore_mem>>, %arg18: memref<!tpu.dma_semaphore, #tpu.memory_space<semaphore_mem>>, %arg19: memref<!tpu.dma_semaphore, #tpu.memory_space<semaphore_mem>>, %arg20: memref<!tpu.dma_semaphore, #tpu.memory_space<semaphore_mem>>, %arg21: memref<!tpu.dma_semaphore, #tpu.memory_space<semaphore_mem>>, %arg22: memref<!tpu.dma_semaphore, #tpu.memory_space<semaphore_mem>>, %arg23: memref<!tpu.dma_semaphore, #tpu.memory_space<semaphore_mem>>) attributes {dimension_semantics = [#tpu.dimension_semantics<core_parallel>, #tpu.dimension_semantics<subcore_parallel>], iteration_bounds = array<i64: 2, 16>, scalar_prefetch = 0 : i64, scratch_operands = 18 : i64, tpu.core_type = #tpu.core_type<sc_vector_subcore>, window_params = [{transform_indices = #map}, {transform_indices = #map1}, {transform_indices = #map}, {transform_indices = #map}]} {
    %mul3A = arith.constant 2 : i32
    %mul3A_0 = arith.muli %arg1, %mul3A : i32
    %add3A = arith.addi %mul3A_0, %arg0 : i32
    %mul3A_1 = arith.constant 632 : i32
    %mul3A_2 = arith.muli %arg1, %mul3A_1 : i32
    %dma_start3A = arith.constant 0 : i32
    %dma_start3A_3 = tpu.memref_slice %arg7[%mul3A_2, %dma_start3A] : memref<10112x128xf32, #tpu.memory_space<vmem_shared>> -> memref<632x128xf32, #tpu.memory_space<vmem_shared>>
    tpu.enqueue_dma source(%arg4 : memref<632x128xf32, #tpu.memory_space<hbm>>) target(%dma_start3A_3 : memref<632x128xf32, #tpu.memory_space<vmem_shared>>) target_semaphore(%arg23 : memref<!tpu.dma_semaphore, #tpu.memory_space<semaphore_mem>>)
    %mul3A_4 = arith.constant 10000 : i32
    %mul3A_5 = arith.muli %add3A, %mul3A_4 : i32
    "tpu.region"() ({
      %run_scoped3A = tpu.sem_alloc : memref<!tpu.dma_semaphore, #tpu.memory_space<semaphore_mem>>
      %dma_start3A_153 = tpu.memref_slice %arg3[%mul3A_5] : memref<640000xi32, #tpu.memory_space<hbm>> -> memref<10000xi32, #tpu.memory_space<hbm>>
      %dma_start3A_154 = tpu.memref_slice %arg3[%mul3A_5] : memref<640000xi32, #tpu.memory_space<hbm>> -> memref<10000xi32, #tpu.memory_space<hbm>>
      tpu.enqueue_dma source(%dma_start3A_154 : memref<10000xi32, #tpu.memory_space<hbm>>) target(%arg6 : memref<10000xi32, #tpu.memory_space<vmem>>) target_semaphore(%run_scoped3A : memref<!tpu.dma_semaphore, #tpu.memory_space<semaphore_mem>>)
      %dma_wait3A_155 = tpu.memref_slice %arg3[%mul3A_5] : memref<640000xi32, #tpu.memory_space<hbm>> -> memref<10000xi32, #tpu.memory_space<hbm>>
      %dma_wait3A_156 = tpu.memref_slice %arg3[%mul3A_5] : memref<640000xi32, #tpu.memory_space<hbm>> -> memref<10000xi32, #tpu.memory_space<hbm>>
      tpu.wait_dma2 semaphore(%run_scoped3A : memref<!tpu.dma_semaphore, #tpu.memory_space<semaphore_mem>>) src(%dma_wait3A_156 : memref<10000xi32, #tpu.memory_space<hbm>>) dst(%arg6 : memref<10000xi32, #tpu.memory_space<vmem>>)
      tpu.yield
    }) : () -> ()
    %multiple_of3A = arith.constant 0 : i32
    %multiple_of3A_6 = tpu.assume_multiple %multiple_of3A, 8 : i32
    %add3A_7 = arith.constant 320000 : i32
    %add3A_8 = arith.addi %add3A_7, %mul3A_5 : i32
    %add3A_9 = arith.addi %add3A_8, %multiple_of3A_6 : i32
    %dma_start3A_10 = tpu.memref_slice %arg3[%add3A_9] : memref<640000xi32, #tpu.memory_space<hbm>> -> memref<80xi32, #tpu.memory_space<hbm>>
    %dma_start3A_11 = tpu.memref_slice %arg3[%add3A_9] : memref<640000xi32, #tpu.memory_space<hbm>> -> memref<80xi32, #tpu.memory_space<hbm>>
    tpu.enqueue_dma source(%dma_start3A_11 : memref<80xi32, #tpu.memory_space<hbm>>) target(%arg11 : memref<80xi32, #tpu.memory_space<vmem>>) target_semaphore(%arg17 : memref<!tpu.dma_semaphore, #tpu.memory_space<semaphore_mem>>)
    %dma_start3A_12 = tpu.memref_slice %arg6[%multiple_of3A_6] : memref<10000xi32, #tpu.memory_space<vmem>> -> memref<80xi32, #tpu.memory_space<vmem>>
    %dma_start3A_13 = arith.constant 0 : i32
    %dma_start3A_14 = arith.constant 0 : i32
    %dma_start3A_15 = tpu.memref_slice %arg2[%dma_start3A_13, %dma_start3A_14] : memref<10000x128xf32, #tpu.memory_space<hbm>> -> memref<10000x128xf32, #tpu.memory_space<hbm>>
    tpu.enqueue_indirect_dma source(%dma_start3A_15 : memref<10000x128xf32, #tpu.memory_space<hbm>>) target(%arg8 : memref<80x128xf32, #tpu.memory_space<vmem>>) offsets(%dma_start3A_12 : memref<80xi32, #tpu.memory_space<vmem>>) semaphore(%arg14 : memref<!tpu.dma_semaphore, #tpu.memory_space<semaphore_mem>>)
    %multiple_of3A_16 = arith.constant 80 : i32
    %multiple_of3A_17 = tpu.assume_multiple %multiple_of3A_16, 8 : i32
    %add3A_18 = arith.constant 320000 : i32
    %add3A_19 = arith.addi %add3A_18, %mul3A_5 : i32
    %add3A_20 = arith.addi %add3A_19, %multiple_of3A_17 : i32
    %dma_start3A_21 = tpu.memref_slice %arg3[%add3A_20] : memref<640000xi32, #tpu.memory_space<hbm>> -> memref<80xi32, #tpu.memory_space<hbm>>
    %dma_start3A_22 = tpu.memref_slice %arg3[%add3A_20] : memref<640000xi32, #tpu.memory_space<hbm>> -> memref<80xi32, #tpu.memory_space<hbm>>
    tpu.enqueue_dma source(%dma_start3A_22 : memref<80xi32, #tpu.memory_space<hbm>>) target(%arg12 : memref<80xi32, #tpu.memory_space<vmem>>) target_semaphore(%arg18 : memref<!tpu.dma_semaphore, #tpu.memory_space<semaphore_mem>>)
    %dma_start3A_23 = tpu.memref_slice %arg6[%multiple_of3A_17] : memref<10000xi32, #tpu.memory_space<vmem>> -> memref<80xi32, #tpu.memory_space<vmem>>
    %dma_start3A_24 = arith.constant 0 : i32
    %dma_start3A_25 = arith.constant 0 : i32
    %dma_start3A_26 = tpu.memref_slice %arg2[%dma_start3A_24, %dma_start3A_25] : memref<10000x128xf32, #tpu.memory_space<hbm>> -> memref<10000x128xf32, #tpu.memory_space<hbm>>
    tpu.enqueue_indirect_dma source(%dma_start3A_26 : memref<10000x128xf32, #tpu.memory_space<hbm>>) target(%arg9 : memref<80x128xf32, #tpu.memory_space<vmem>>) offsets(%dma_start3A_23 : memref<80xi32, #tpu.memory_space<vmem>>) semaphore(%arg15 : memref<!tpu.dma_semaphore, #tpu.memory_space<semaphore_mem>>)
    %multiple_of3A_27 = arith.constant 160 : i32
    %multiple_of3A_28 = tpu.assume_multiple %multiple_of3A_27, 8 : i32
    %add3A_29 = arith.constant 320000 : i32
    %add3A_30 = arith.addi %add3A_29, %mul3A_5 : i32
    %add3A_31 = arith.addi %add3A_30, %multiple_of3A_28 : i32
    %dma_start3A_32 = tpu.memref_slice %arg3[%add3A_31] : memref<640000xi32, #tpu.memory_space<hbm>> -> memref<80xi32, #tpu.memory_space<hbm>>
    %dma_start3A_33 = tpu.memref_slice %arg3[%add3A_31] : memref<640000xi32, #tpu.memory_space<hbm>> -> memref<80xi32, #tpu.memory_space<hbm>>
    tpu.enqueue_dma source(%dma_start3A_33 : memref<80xi32, #tpu.memory_space<hbm>>) target(%arg13 : memref<80xi32, #tpu.memory_space<vmem>>) target_semaphore(%arg19 : memref<!tpu.dma_semaphore, #tpu.memory_space<semaphore_mem>>)
    %dma_start3A_34 = tpu.memref_slice %arg6[%multiple_of3A_28] : memref<10000xi32, #tpu.memory_space<vmem>> -> memref<80xi32, #tpu.memory_space<vmem>>
    %dma_start3A_35 = arith.constant 0 : i32
    %dma_start3A_36 = arith.constant 0 : i32
    %dma_start3A_37 = tpu.memref_slice %arg2[%dma_start3A_35, %dma_start3A_36] : memref<10000x128xf32, #tpu.memory_space<hbm>> -> memref<10000x128xf32, #tpu.memory_space<hbm>>
    tpu.enqueue_indirect_dma source(%dma_start3A_37 : memref<10000x128xf32, #tpu.memory_space<hbm>>) target(%arg10 : memref<80x128xf32, #tpu.memory_space<vmem>>) offsets(%dma_start3A_34 : memref<80xi32, #tpu.memory_space<vmem>>) semaphore(%arg16 : memref<!tpu.dma_semaphore, #tpu.memory_space<semaphore_mem>>)
    %dma_wait3A = arith.constant 0 : i32
    %dma_wait3A_38 = tpu.memref_slice %arg7[%mul3A_2, %dma_wait3A] : memref<10112x128xf32, #tpu.memory_space<vmem_shared>> -> memref<632x128xf32, #tpu.memory_space<vmem_shared>>
    tpu.wait_dma2 semaphore(%arg23 : memref<!tpu.dma_semaphore, #tpu.memory_space<semaphore_mem>>) src(%arg4 : memref<632x128xf32, #tpu.memory_space<hbm>>) dst(%dma_wait3A_38 : memref<632x128xf32, #tpu.memory_space<vmem_shared>>)
    %barrier3A = arith.constant 0 : index
    tpu.barrier barrier_id(%barrier3A)
    %scan3A = arith.constant 0 : i32
    %scan3A_39 = arith.constant 0 : i32
    %scan3A_40 = arith.constant 40 : i32
    %scan3A_41 = arith.addi %scan3A_39, %scan3A_40 : i32
    %scan3A_42 = arith.constant 1 : i32
    scf.for %scan3A_153 = %scan3A_39 to %scan3A_41 step %scan3A_42  : i32 {
      %mul3A_154 = arith.constant 3 : i32
      %mul3A_155 = arith.muli %scan3A_153, %mul3A_154 : i32
      %add3A_156 = arith.constant 0 : i32
      %add3A_157 = arith.addi %mul3A_155, %add3A_156 : i32
      %dma_wait3A_158 = arith.constant 0 : i32
      %dma_wait3A_159 = tpu.memref_slice %arg3[%dma_wait3A_158] : memref<640000xi32, #tpu.memory_space<hbm>> -> memref<80xi32, #tpu.memory_space<hbm>>
      %dma_wait3A_160 = arith.constant 0 : i32
      %dma_wait3A_161 = tpu.memref_slice %arg3[%dma_wait3A_160] : memref<640000xi32, #tpu.memory_space<hbm>> -> memref<80xi32, #tpu.memory_space<hbm>>
      tpu.wait_dma2 semaphore(%arg17 : memref<!tpu.dma_semaphore, #tpu.memory_space<semaphore_mem>>) src(%dma_wait3A_161 : memref<80xi32, #tpu.memory_space<hbm>>) dst(%arg11 : memref<80xi32, #tpu.memory_space<vmem>>)
      %dma_wait3A_162 = arith.constant 0 : i32
      %dma_wait3A_163 = arith.constant 0 : i32
      %dma_wait3A_164 = tpu.memref_slice %arg2[%dma_wait3A_162, %dma_wait3A_163] : memref<10000x128xf32, #tpu.memory_space<hbm>> -> memref<80x128xf32, #tpu.memory_space<hbm>>
      %dma_wait3A_165 = arith.constant 0 : i32
      %dma_wait3A_166 = arith.constant 0 : i32
      %dma_wait3A_167 = tpu.memref_slice %arg2[%dma_wait3A_165, %dma_wait3A_166] : memref<10000x128xf32, #tpu.memory_space<hbm>> -> memref<80x128xf32, #tpu.memory_space<hbm>>
      tpu.wait_dma2 semaphore(%arg14 : memref<!tpu.dma_semaphore, #tpu.memory_space<semaphore_mem>>) src(%dma_wait3A_167 : memref<80x128xf32, #tpu.memory_space<hbm>>) dst(%arg8 : memref<80x128xf32, #tpu.memory_space<vmem>>)
      %dma_start3A_168 = arith.constant 0 : i32
      %dma_start3A_169 = arith.constant 0 : i32
      %dma_start3A_170 = tpu.memref_slice %arg7[%dma_start3A_168, %dma_start3A_169] : memref<10112x128xf32, #tpu.memory_space<vmem_shared>> -> memref<10112x128xf32, #tpu.memory_space<vmem_shared>>
      tpu.enqueue_indirect_dma source(%arg8 : memref<80x128xf32, #tpu.memory_space<vmem>>) target(%dma_start3A_170 : memref<10112x128xf32, #tpu.memory_space<vmem_shared>>) offsets(%arg11 : memref<80xi32, #tpu.memory_space<vmem>>) semaphore(%arg20 : memref<!tpu.dma_semaphore, #tpu.memory_space<semaphore_mem>>) {add = true}
      %add3A_171 = arith.constant 3 : i32
      %add3A_172 = arith.addi %add3A_157, %add3A_171 : i32
      %dma_wait3A_173 = arith.constant 0 : i32
      %dma_wait3A_174 = arith.constant 0 : i32
      %dma_wait3A_175 = tpu.memref_slice %arg7[%dma_wait3A_173, %dma_wait3A_174] : memref<10112x128xf32, #tpu.memory_space<vmem_shared>> -> memref<10112x128xf32, #tpu.memory_space<vmem_shared>>
      tpu.wait_indirect_dma semaphore(%arg20 : memref<!tpu.dma_semaphore, #tpu.memory_space<semaphore_mem>>) src(%arg8 : memref<80x128xf32, #tpu.memory_space<vmem>>) dst(%dma_wait3A_175 : memref<10112x128xf32, #tpu.memory_space<vmem_shared>>)
      %mul3A_176 = arith.constant 80 : i32
      %mul3A_177 = arith.muli %add3A_172, %mul3A_176 : i32
      %multiple_of3A_178 = tpu.assume_multiple %mul3A_177, 8 : i32
      %add3A_179 = arith.constant 320000 : i32
      %add3A_180 = arith.addi %add3A_179, %mul3A_5 : i32
      %add3A_181 = arith.addi %add3A_180, %multiple_of3A_178 : i32
      %dma_start3A_182 = tpu.memref_slice %arg3[%add3A_181] : memref<640000xi32, #tpu.memory_space<hbm>> -> memref<80xi32, #tpu.memory_space<hbm>>
      %dma_start3A_183 = tpu.memref_slice %arg3[%add3A_181] : memref<640000xi32, #tpu.memory_space<hbm>> -> memref<80xi32, #tpu.memory_space<hbm>>
      tpu.enqueue_dma source(%dma_start3A_183 : memref<80xi32, #tpu.memory_space<hbm>>) target(%arg11 : memref<80xi32, #tpu.memory_space<vmem>>) target_semaphore(%arg17 : memref<!tpu.dma_semaphore, #tpu.memory_space<semaphore_mem>>)
      %dma_start3A_184 = tpu.memref_slice %arg6[%multiple_of3A_178] : memref<10000xi32, #tpu.memory_space<vmem>> -> memref<80xi32, #tpu.memory_space<vmem>>
      %dma_start3A_185 = arith.constant 0 : i32
      %dma_start3A_186 = arith.constant 0 : i32
      %dma_start3A_187 = tpu.memref_slice %arg2[%dma_start3A_185, %dma_start3A_186] : memref<10000x128xf32, #tpu.memory_space<hbm>> -> memref<10000x128xf32, #tpu.memory_space<hbm>>
      tpu.enqueue_indirect_dma source(%dma_start3A_187 : memref<10000x128xf32, #tpu.memory_space<hbm>>) target(%arg8 : memref<80x128xf32, #tpu.memory_space<vmem>>) offsets(%dma_start3A_184 : memref<80xi32, #tpu.memory_space<vmem>>) semaphore(%arg14 : memref<!tpu.dma_semaphore, #tpu.memory_space<semaphore_mem>>)
      %mul3A_188 = arith.constant 3 : i32
      %mul3A_189 = arith.muli %scan3A_153, %mul3A_188 : i32
      %add3A_190 = arith.constant 1 : i32
      %add3A_191 = arith.addi %mul3A_189, %add3A_190 : i32
      %dma_wait3A_192 = arith.constant 0 : i32
      %dma_wait3A_193 = tpu.memref_slice %arg3[%dma_wait3A_192] : memref<640000xi32, #tpu.memory_space<hbm>> -> memref<80xi32, #tpu.memory_space<hbm>>
      %dma_wait3A_194 = arith.constant 0 : i32
      %dma_wait3A_195 = tpu.memref_slice %arg3[%dma_wait3A_194] : memref<640000xi32, #tpu.memory_space<hbm>> -> memref<80xi32, #tpu.memory_space<hbm>>
      tpu.wait_dma2 semaphore(%arg18 : memref<!tpu.dma_semaphore, #tpu.memory_space<semaphore_mem>>) src(%dma_wait3A_195 : memref<80xi32, #tpu.memory_space<hbm>>) dst(%arg12 : memref<80xi32, #tpu.memory_space<vmem>>)
      %dma_wait3A_196 = arith.constant 0 : i32
      %dma_wait3A_197 = arith.constant 0 : i32
      %dma_wait3A_198 = tpu.memref_slice %arg2[%dma_wait3A_196, %dma_wait3A_197] : memref<10000x128xf32, #tpu.memory_space<hbm>> -> memref<80x128xf32, #tpu.memory_space<hbm>>
      %dma_wait3A_199 = arith.constant 0 : i32
      %dma_wait3A_200 = arith.constant 0 : i32
      %dma_wait3A_201 = tpu.memref_slice %arg2[%dma_wait3A_199, %dma_wait3A_200] : memref<10000x128xf32, #tpu.memory_space<hbm>> -> memref<80x128xf32, #tpu.memory_space<hbm>>
      tpu.wait_dma2 semaphore(%arg15 : memref<!tpu.dma_semaphore, #tpu.memory_space<semaphore_mem>>) src(%dma_wait3A_201 : memref<80x128xf32, #tpu.memory_space<hbm>>) dst(%arg9 : memref<80x128xf32, #tpu.memory_space<vmem>>)
      %dma_start3A_202 = arith.constant 0 : i32
      %dma_start3A_203 = arith.constant 0 : i32
      %dma_start3A_204 = tpu.memref_slice %arg7[%dma_start3A_202, %dma_start3A_203] : memref<10112x128xf32, #tpu.memory_space<vmem_shared>> -> memref<10112x128xf32, #tpu.memory_space<vmem_shared>>
      tpu.enqueue_indirect_dma source(%arg9 : memref<80x128xf32, #tpu.memory_space<vmem>>) target(%dma_start3A_204 : memref<10112x128xf32, #tpu.memory_space<vmem_shared>>) offsets(%arg12 : memref<80xi32, #tpu.memory_space<vmem>>) semaphore(%arg21 : memref<!tpu.dma_semaphore, #tpu.memory_space<semaphore_mem>>) {add = true}
      %add3A_205 = arith.constant 3 : i32
      %add3A_206 = arith.addi %add3A_191, %add3A_205 : i32
      %dma_wait3A_207 = arith.constant 0 : i32
      %dma_wait3A_208 = arith.constant 0 : i32
      %dma_wait3A_209 = tpu.memref_slice %arg7[%dma_wait3A_207, %dma_wait3A_208] : memref<10112x128xf32, #tpu.memory_space<vmem_shared>> -> memref<10112x128xf32, #tpu.memory_space<vmem_shared>>
      tpu.wait_indirect_dma semaphore(%arg21 : memref<!tpu.dma_semaphore, #tpu.memory_space<semaphore_mem>>) src(%arg9 : memref<80x128xf32, #tpu.memory_space<vmem>>) dst(%dma_wait3A_209 : memref<10112x128xf32, #tpu.memory_space<vmem_shared>>)
      %mul3A_210 = arith.constant 80 : i32
      %mul3A_211 = arith.muli %add3A_206, %mul3A_210 : i32
      %multiple_of3A_212 = tpu.assume_multiple %mul3A_211, 8 : i32
      %add3A_213 = arith.constant 320000 : i32
      %add3A_214 = arith.addi %add3A_213, %mul3A_5 : i32
      %add3A_215 = arith.addi %add3A_214, %multiple_of3A_212 : i32
      %dma_start3A_216 = tpu.memref_slice %arg3[%add3A_215] : memref<640000xi32, #tpu.memory_space<hbm>> -> memref<80xi32, #tpu.memory_space<hbm>>
      %dma_start3A_217 = tpu.memref_slice %arg3[%add3A_215] : memref<640000xi32, #tpu.memory_space<hbm>> -> memref<80xi32, #tpu.memory_space<hbm>>
      tpu.enqueue_dma source(%dma_start3A_217 : memref<80xi32, #tpu.memory_space<hbm>>) target(%arg12 : memref<80xi32, #tpu.memory_space<vmem>>) target_semaphore(%arg18 : memref<!tpu.dma_semaphore, #tpu.memory_space<semaphore_mem>>)
      %dma_start3A_218 = tpu.memref_slice %arg6[%multiple_of3A_212] : memref<10000xi32, #tpu.memory_space<vmem>> -> memref<80xi32, #tpu.memory_space<vmem>>
      %dma_start3A_219 = arith.constant 0 : i32
      %dma_start3A_220 = arith.constant 0 : i32
      %dma_start3A_221 = tpu.memref_slice %arg2[%dma_start3A_219, %dma_start3A_220] : memref<10000x128xf32, #tpu.memory_space<hbm>> -> memref<10000x128xf32, #tpu.memory_space<hbm>>
      tpu.enqueue_indirect_dma source(%dma_start3A_221 : memref<10000x128xf32, #tpu.memory_space<hbm>>) target(%arg9 : memref<80x128xf32, #tpu.memory_space<vmem>>) offsets(%dma_start3A_218 : memref<80xi32, #tpu.memory_space<vmem>>) semaphore(%arg15 : memref<!tpu.dma_semaphore, #tpu.memory_space<semaphore_mem>>)
      %mul3A_222 = arith.constant 3 : i32
      %mul3A_223 = arith.muli %scan3A_153, %mul3A_222 : i32
      %add3A_224 = arith.constant 2 : i32
      %add3A_225 = arith.addi %mul3A_223, %add3A_224 : i32
      %dma_wait3A_226 = arith.constant 0 : i32
      %dma_wait3A_227 = tpu.memref_slice %arg3[%dma_wait3A_226] : memref<640000xi32, #tpu.memory_space<hbm>> -> memref<80xi32, #tpu.memory_space<hbm>>
      %dma_wait3A_228 = arith.constant 0 : i32
      %dma_wait3A_229 = tpu.memref_slice %arg3[%dma_wait3A_228] : memref<640000xi32, #tpu.memory_space<hbm>> -> memref<80xi32, #tpu.memory_space<hbm>>
      tpu.wait_dma2 semaphore(%arg19 : memref<!tpu.dma_semaphore, #tpu.memory_space<semaphore_mem>>) src(%dma_wait3A_229 : memref<80xi32, #tpu.memory_space<hbm>>) dst(%arg13 : memref<80xi32, #tpu.memory_space<vmem>>)
      %dma_wait3A_230 = arith.constant 0 : i32
      %dma_wait3A_231 = arith.constant 0 : i32
      %dma_wait3A_232 = tpu.memref_slice %arg2[%dma_wait3A_230, %dma_wait3A_231] : memref<10000x128xf32, #tpu.memory_space<hbm>> -> memref<80x128xf32, #tpu.memory_space<hbm>>
      %dma_wait3A_233 = arith.constant 0 : i32
      %dma_wait3A_234 = arith.constant 0 : i32
      %dma_wait3A_235 = tpu.memref_slice %arg2[%dma_wait3A_233, %dma_wait3A_234] : memref<10000x128xf32, #tpu.memory_space<hbm>> -> memref<80x128xf32, #tpu.memory_space<hbm>>
      tpu.wait_dma2 semaphore(%arg16 : memref<!tpu.dma_semaphore, #tpu.memory_space<semaphore_mem>>) src(%dma_wait3A_235 : memref<80x128xf32, #tpu.memory_space<hbm>>) dst(%arg10 : memref<80x128xf32, #tpu.memory_space<vmem>>)
      %dma_start3A_236 = arith.constant 0 : i32
      %dma_start3A_237 = arith.constant 0 : i32
      %dma_start3A_238 = tpu.memref_slice %arg7[%dma_start3A_236, %dma_start3A_237] : memref<10112x128xf32, #tpu.memory_space<vmem_shared>> -> memref<10112x128xf32, #tpu.memory_space<vmem_shared>>
      tpu.enqueue_indirect_dma source(%arg10 : memref<80x128xf32, #tpu.memory_space<vmem>>) target(%dma_start3A_238 : memref<10112x128xf32, #tpu.memory_space<vmem_shared>>) offsets(%arg13 : memref<80xi32, #tpu.memory_space<vmem>>) semaphore(%arg22 : memref<!tpu.dma_semaphore, #tpu.memory_space<semaphore_mem>>) {add = true}
      %add3A_239 = arith.constant 3 : i32
      %add3A_240 = arith.addi %add3A_225, %add3A_239 : i32
      %dma_wait3A_241 = arith.constant 0 : i32
      %dma_wait3A_242 = arith.constant 0 : i32
      %dma_wait3A_243 = tpu.memref_slice %arg7[%dma_wait3A_241, %dma_wait3A_242] : memref<10112x128xf32, #tpu.memory_space<vmem_shared>> -> memref<10112x128xf32, #tpu.memory_space<vmem_shared>>
      tpu.wait_indirect_dma semaphore(%arg22 : memref<!tpu.dma_semaphore, #tpu.memory_space<semaphore_mem>>) src(%arg10 : memref<80x128xf32, #tpu.memory_space<vmem>>) dst(%dma_wait3A_243 : memref<10112x128xf32, #tpu.memory_space<vmem_shared>>)
      %mul3A_244 = arith.constant 80 : i32
      %mul3A_245 = arith.muli %add3A_240, %mul3A_244 : i32
      %multiple_of3A_246 = tpu.assume_multiple %mul3A_245, 8 : i32
      %add3A_247 = arith.constant 320000 : i32
      %add3A_248 = arith.addi %add3A_247, %mul3A_5 : i32
      %add3A_249 = arith.addi %add3A_248, %multiple_of3A_246 : i32
      %dma_start3A_250 = tpu.memref_slice %arg3[%add3A_249] : memref<640000xi32, #tpu.memory_space<hbm>> -> memref<80xi32, #tpu.memory_space<hbm>>
      %dma_start3A_251 = tpu.memref_slice %arg3[%add3A_249] : memref<640000xi32, #tpu.memory_space<hbm>> -> memref<80xi32, #tpu.memory_space<hbm>>
      tpu.enqueue_dma source(%dma_start3A_251 : memref<80xi32, #tpu.memory_space<hbm>>) target(%arg13 : memref<80xi32, #tpu.memory_space<vmem>>) target_semaphore(%arg19 : memref<!tpu.dma_semaphore, #tpu.memory_space<semaphore_mem>>)
      %dma_start3A_252 = tpu.memref_slice %arg6[%multiple_of3A_246] : memref<10000xi32, #tpu.memory_space<vmem>> -> memref<80xi32, #tpu.memory_space<vmem>>
      %dma_start3A_253 = arith.constant 0 : i32
      %dma_start3A_254 = arith.constant 0 : i32
      %dma_start3A_255 = tpu.memref_slice %arg2[%dma_start3A_253, %dma_start3A_254] : memref<10000x128xf32, #tpu.memory_space<hbm>> -> memref<10000x128xf32, #tpu.memory_space<hbm>>
      tpu.enqueue_indirect_dma source(%dma_start3A_255 : memref<10000x128xf32, #tpu.memory_space<hbm>>) target(%arg10 : memref<80x128xf32, #tpu.memory_space<vmem>>) offsets(%dma_start3A_252 : memref<80xi32, #tpu.memory_space<vmem>>) semaphore(%arg16 : memref<!tpu.dma_semaphore, #tpu.memory_space<semaphore_mem>>)
    }
    %scan3A_43 = arith.constant 40 : i32
    %dma_wait3A_44 = arith.constant 0 : i32
    %dma_wait3A_45 = tpu.memref_slice %arg3[%dma_wait3A_44] : memref<640000xi32, #tpu.memory_space<hbm>> -> memref<80xi32, #tpu.memory_space<hbm>>
    %dma_wait3A_46 = arith.constant 0 : i32
    %dma_wait3A_47 = tpu.memref_slice %arg3[%dma_wait3A_46] : memref<640000xi32, #tpu.memory_space<hbm>> -> memref<80xi32, #tpu.memory_space<hbm>>
    tpu.wait_dma2 semaphore(%arg17 : memref<!tpu.dma_semaphore, #tpu.memory_space<semaphore_mem>>) src(%dma_wait3A_47 : memref<80xi32, #tpu.memory_space<hbm>>) dst(%arg11 : memref<80xi32, #tpu.memory_space<vmem>>)
    %dma_wait3A_48 = arith.constant 0 : i32
    %dma_wait3A_49 = arith.constant 0 : i32
    %dma_wait3A_50 = tpu.memref_slice %arg2[%dma_wait3A_48, %dma_wait3A_49] : memref<10000x128xf32, #tpu.memory_space<hbm>> -> memref<80x128xf32, #tpu.memory_space<hbm>>
    %dma_wait3A_51 = arith.constant 0 : i32
    %dma_wait3A_52 = arith.constant 0 : i32
    %dma_wait3A_53 = tpu.memref_slice %arg2[%dma_wait3A_51, %dma_wait3A_52] : memref<10000x128xf32, #tpu.memory_space<hbm>> -> memref<80x128xf32, #tpu.memory_space<hbm>>
    tpu.wait_dma2 semaphore(%arg14 : memref<!tpu.dma_semaphore, #tpu.memory_space<semaphore_mem>>) src(%dma_wait3A_53 : memref<80x128xf32, #tpu.memory_space<hbm>>) dst(%arg8 : memref<80x128xf32, #tpu.memory_space<vmem>>)
    %dma_start3A_54 = arith.constant 0 : i32
    %dma_start3A_55 = arith.constant 0 : i32
    %dma_start3A_56 = tpu.memref_slice %arg7[%dma_start3A_54, %dma_start3A_55] : memref<10112x128xf32, #tpu.memory_space<vmem_shared>> -> memref<10112x128xf32, #tpu.memory_space<vmem_shared>>
    tpu.enqueue_indirect_dma source(%arg8 : memref<80x128xf32, #tpu.memory_space<vmem>>) target(%dma_start3A_56 : memref<10112x128xf32, #tpu.memory_space<vmem_shared>>) offsets(%arg11 : memref<80xi32, #tpu.memory_space<vmem>>) semaphore(%arg20 : memref<!tpu.dma_semaphore, #tpu.memory_space<semaphore_mem>>) {add = true}
    %dma_wait3A_57 = arith.constant 0 : i32
    %dma_wait3A_58 = arith.constant 0 : i32
    %dma_wait3A_59 = tpu.memref_slice %arg7[%dma_wait3A_57, %dma_wait3A_58] : memref<10112x128xf32, #tpu.memory_space<vmem_shared>> -> memref<10112x128xf32, #tpu.memory_space<vmem_shared>>
    tpu.wait_indirect_dma semaphore(%arg20 : memref<!tpu.dma_semaphore, #tpu.memory_space<semaphore_mem>>) src(%arg8 : memref<80x128xf32, #tpu.memory_space<vmem>>) dst(%dma_wait3A_59 : memref<10112x128xf32, #tpu.memory_space<vmem_shared>>)
    %multiple_of3A_60 = arith.constant 9840 : i32
    %multiple_of3A_61 = tpu.assume_multiple %multiple_of3A_60, 8 : i32
    %add3A_62 = arith.constant 320000 : i32
    %add3A_63 = arith.addi %add3A_62, %mul3A_5 : i32
    %add3A_64 = arith.addi %add3A_63, %multiple_of3A_61 : i32
    %dma_start3A_65 = tpu.memref_slice %arg3[%add3A_64] : memref<640000xi32, #tpu.memory_space<hbm>> -> memref<80xi32, #tpu.memory_space<hbm>>
    %dma_start3A_66 = tpu.memref_slice %arg3[%add3A_64] : memref<640000xi32, #tpu.memory_space<hbm>> -> memref<80xi32, #tpu.memory_space<hbm>>
    tpu.enqueue_dma source(%dma_start3A_66 : memref<80xi32, #tpu.memory_space<hbm>>) target(%arg11 : memref<80xi32, #tpu.memory_space<vmem>>) target_semaphore(%arg17 : memref<!tpu.dma_semaphore, #tpu.memory_space<semaphore_mem>>)
    %dma_start3A_67 = tpu.memref_slice %arg6[%multiple_of3A_61] : memref<10000xi32, #tpu.memory_space<vmem>> -> memref<80xi32, #tpu.memory_space<vmem>>
    %dma_start3A_68 = arith.constant 0 : i32
    %dma_start3A_69 = arith.constant 0 : i32
    %dma_start3A_70 = tpu.memref_slice %arg2[%dma_start3A_68, %dma_start3A_69] : memref<10000x128xf32, #tpu.memory_space<hbm>> -> memref<10000x128xf32, #tpu.memory_space<hbm>>
    tpu.enqueue_indirect_dma source(%dma_start3A_70 : memref<10000x128xf32, #tpu.memory_space<hbm>>) target(%arg8 : memref<80x128xf32, #tpu.memory_space<vmem>>) offsets(%dma_start3A_67 : memref<80xi32, #tpu.memory_space<vmem>>) semaphore(%arg14 : memref<!tpu.dma_semaphore, #tpu.memory_space<semaphore_mem>>)
    %dma_wait3A_71 = arith.constant 0 : i32
    %dma_wait3A_72 = tpu.memref_slice %arg3[%dma_wait3A_71] : memref<640000xi32, #tpu.memory_space<hbm>> -> memref<80xi32, #tpu.memory_space<hbm>>
    %dma_wait3A_73 = arith.constant 0 : i32
    %dma_wait3A_74 = tpu.memref_slice %arg3[%dma_wait3A_73] : memref<640000xi32, #tpu.memory_space<hbm>> -> memref<80xi32, #tpu.memory_space<hbm>>
    tpu.wait_dma2 semaphore(%arg18 : memref<!tpu.dma_semaphore, #tpu.memory_space<semaphore_mem>>) src(%dma_wait3A_74 : memref<80xi32, #tpu.memory_space<hbm>>) dst(%arg12 : memref<80xi32, #tpu.memory_space<vmem>>)
    %dma_wait3A_75 = arith.constant 0 : i32
    %dma_wait3A_76 = arith.constant 0 : i32
    %dma_wait3A_77 = tpu.memref_slice %arg2[%dma_wait3A_75, %dma_wait3A_76] : memref<10000x128xf32, #tpu.memory_space<hbm>> -> memref<80x128xf32, #tpu.memory_space<hbm>>
    %dma_wait3A_78 = arith.constant 0 : i32
    %dma_wait3A_79 = arith.constant 0 : i32
    %dma_wait3A_80 = tpu.memref_slice %arg2[%dma_wait3A_78, %dma_wait3A_79] : memref<10000x128xf32, #tpu.memory_space<hbm>> -> memref<80x128xf32, #tpu.memory_space<hbm>>
    tpu.wait_dma2 semaphore(%arg15 : memref<!tpu.dma_semaphore, #tpu.memory_space<semaphore_mem>>) src(%dma_wait3A_80 : memref<80x128xf32, #tpu.memory_space<hbm>>) dst(%arg9 : memref<80x128xf32, #tpu.memory_space<vmem>>)
    %dma_start3A_81 = arith.constant 0 : i32
    %dma_start3A_82 = arith.constant 0 : i32
    %dma_start3A_83 = tpu.memref_slice %arg7[%dma_start3A_81, %dma_start3A_82] : memref<10112x128xf32, #tpu.memory_space<vmem_shared>> -> memref<10112x128xf32, #tpu.memory_space<vmem_shared>>
    tpu.enqueue_indirect_dma source(%arg9 : memref<80x128xf32, #tpu.memory_space<vmem>>) target(%dma_start3A_83 : memref<10112x128xf32, #tpu.memory_space<vmem_shared>>) offsets(%arg12 : memref<80xi32, #tpu.memory_space<vmem>>) semaphore(%arg21 : memref<!tpu.dma_semaphore, #tpu.memory_space<semaphore_mem>>) {add = true}
    %dma_wait3A_84 = arith.constant 0 : i32
    %dma_wait3A_85 = arith.constant 0 : i32
    %dma_wait3A_86 = tpu.memref_slice %arg7[%dma_wait3A_84, %dma_wait3A_85] : memref<10112x128xf32, #tpu.memory_space<vmem_shared>> -> memref<10112x128xf32, #tpu.memory_space<vmem_shared>>
    tpu.wait_indirect_dma semaphore(%arg21 : memref<!tpu.dma_semaphore, #tpu.memory_space<semaphore_mem>>) src(%arg9 : memref<80x128xf32, #tpu.memory_space<vmem>>) dst(%dma_wait3A_86 : memref<10112x128xf32, #tpu.memory_space<vmem_shared>>)
    %multiple_of3A_87 = arith.constant 9920 : i32
    %multiple_of3A_88 = tpu.assume_multiple %multiple_of3A_87, 8 : i32
    %add3A_89 = arith.constant 320000 : i32
    %add3A_90 = arith.addi %add3A_89, %mul3A_5 : i32
    %add3A_91 = arith.addi %add3A_90, %multiple_of3A_88 : i32
    %dma_start3A_92 = tpu.memref_slice %arg3[%add3A_91] : memref<640000xi32, #tpu.memory_space<hbm>> -> memref<80xi32, #tpu.memory_space<hbm>>
    %dma_start3A_93 = tpu.memref_slice %arg3[%add3A_91] : memref<640000xi32, #tpu.memory_space<hbm>> -> memref<80xi32, #tpu.memory_space<hbm>>
    tpu.enqueue_dma source(%dma_start3A_93 : memref<80xi32, #tpu.memory_space<hbm>>) target(%arg12 : memref<80xi32, #tpu.memory_space<vmem>>) target_semaphore(%arg18 : memref<!tpu.dma_semaphore, #tpu.memory_space<semaphore_mem>>)
    %dma_start3A_94 = tpu.memref_slice %arg6[%multiple_of3A_88] : memref<10000xi32, #tpu.memory_space<vmem>> -> memref<80xi32, #tpu.memory_space<vmem>>
    %dma_start3A_95 = arith.constant 0 : i32
    %dma_start3A_96 = arith.constant 0 : i32
    %dma_start3A_97 = tpu.memref_slice %arg2[%dma_start3A_95, %dma_start3A_96] : memref<10000x128xf32, #tpu.memory_space<hbm>> -> memref<10000x128xf32, #tpu.memory_space<hbm>>
    tpu.enqueue_indirect_dma source(%dma_start3A_97 : memref<10000x128xf32, #tpu.memory_space<hbm>>) target(%arg9 : memref<80x128xf32, #tpu.memory_space<vmem>>) offsets(%dma_start3A_94 : memref<80xi32, #tpu.memory_space<vmem>>) semaphore(%arg15 : memref<!tpu.dma_semaphore, #tpu.memory_space<semaphore_mem>>)
    %dma_wait3A_98 = arith.constant 0 : i32
    %dma_wait3A_99 = tpu.memref_slice %arg3[%dma_wait3A_98] : memref<640000xi32, #tpu.memory_space<hbm>> -> memref<80xi32, #tpu.memory_space<hbm>>
    %dma_wait3A_100 = arith.constant 0 : i32
    %dma_wait3A_101 = tpu.memref_slice %arg3[%dma_wait3A_100] : memref<640000xi32, #tpu.memory_space<hbm>> -> memref<80xi32, #tpu.memory_space<hbm>>
    tpu.wait_dma2 semaphore(%arg19 : memref<!tpu.dma_semaphore, #tpu.memory_space<semaphore_mem>>) src(%dma_wait3A_101 : memref<80xi32, #tpu.memory_space<hbm>>) dst(%arg13 : memref<80xi32, #tpu.memory_space<vmem>>)
    %dma_wait3A_102 = arith.constant 0 : i32
    %dma_wait3A_103 = arith.constant 0 : i32
    %dma_wait3A_104 = tpu.memref_slice %arg2[%dma_wait3A_102, %dma_wait3A_103] : memref<10000x128xf32, #tpu.memory_space<hbm>> -> memref<80x128xf32, #tpu.memory_space<hbm>>
    %dma_wait3A_105 = arith.constant 0 : i32
    %dma_wait3A_106 = arith.constant 0 : i32
    %dma_wait3A_107 = tpu.memref_slice %arg2[%dma_wait3A_105, %dma_wait3A_106] : memref<10000x128xf32, #tpu.memory_space<hbm>> -> memref<80x128xf32, #tpu.memory_space<hbm>>
    tpu.wait_dma2 semaphore(%arg16 : memref<!tpu.dma_semaphore, #tpu.memory_space<semaphore_mem>>) src(%dma_wait3A_107 : memref<80x128xf32, #tpu.memory_space<hbm>>) dst(%arg10 : memref<80x128xf32, #tpu.memory_space<vmem>>)
    %dma_start3A_108 = arith.constant 0 : i32
    %dma_start3A_109 = arith.constant 0 : i32
    %dma_start3A_110 = tpu.memref_slice %arg7[%dma_start3A_108, %dma_start3A_109] : memref<10112x128xf32, #tpu.memory_space<vmem_shared>> -> memref<10112x128xf32, #tpu.memory_space<vmem_shared>>
    tpu.enqueue_indirect_dma source(%arg10 : memref<80x128xf32, #tpu.memory_space<vmem>>) target(%dma_start3A_110 : memref<10112x128xf32, #tpu.memory_space<vmem_shared>>) offsets(%arg13 : memref<80xi32, #tpu.memory_space<vmem>>) semaphore(%arg22 : memref<!tpu.dma_semaphore, #tpu.memory_space<semaphore_mem>>) {add = true}
    %dma_wait3A_111 = arith.constant 0 : i32
    %dma_wait3A_112 = tpu.memref_slice %arg3[%dma_wait3A_111] : memref<640000xi32, #tpu.memory_space<hbm>> -> memref<80xi32, #tpu.memory_space<hbm>>
    %dma_wait3A_113 = arith.constant 0 : i32
    %dma_wait3A_114 = tpu.memref_slice %arg3[%dma_wait3A_113] : memref<640000xi32, #tpu.memory_space<hbm>> -> memref<80xi32, #tpu.memory_space<hbm>>
    tpu.wait_dma2 semaphore(%arg17 : memref<!tpu.dma_semaphore, #tpu.memory_space<semaphore_mem>>) src(%dma_wait3A_114 : memref<80xi32, #tpu.memory_space<hbm>>) dst(%arg11 : memref<80xi32, #tpu.memory_space<vmem>>)
    %dma_wait3A_115 = arith.constant 0 : i32
    %dma_wait3A_116 = arith.constant 0 : i32
    %dma_wait3A_117 = tpu.memref_slice %arg2[%dma_wait3A_115, %dma_wait3A_116] : memref<10000x128xf32, #tpu.memory_space<hbm>> -> memref<80x128xf32, #tpu.memory_space<hbm>>
    %dma_wait3A_118 = arith.constant 0 : i32
    %dma_wait3A_119 = arith.constant 0 : i32
    %dma_wait3A_120 = tpu.memref_slice %arg2[%dma_wait3A_118, %dma_wait3A_119] : memref<10000x128xf32, #tpu.memory_space<hbm>> -> memref<80x128xf32, #tpu.memory_space<hbm>>
    tpu.wait_dma2 semaphore(%arg14 : memref<!tpu.dma_semaphore, #tpu.memory_space<semaphore_mem>>) src(%dma_wait3A_120 : memref<80x128xf32, #tpu.memory_space<hbm>>) dst(%arg8 : memref<80x128xf32, #tpu.memory_space<vmem>>)
    %dma_start3A_121 = arith.constant 0 : i32
    %dma_start3A_122 = arith.constant 0 : i32
    %dma_start3A_123 = tpu.memref_slice %arg7[%dma_start3A_121, %dma_start3A_122] : memref<10112x128xf32, #tpu.memory_space<vmem_shared>> -> memref<10112x128xf32, #tpu.memory_space<vmem_shared>>
    tpu.enqueue_indirect_dma source(%arg8 : memref<80x128xf32, #tpu.memory_space<vmem>>) target(%dma_start3A_123 : memref<10112x128xf32, #tpu.memory_space<vmem_shared>>) offsets(%arg11 : memref<80xi32, #tpu.memory_space<vmem>>) semaphore(%arg20 : memref<!tpu.dma_semaphore, #tpu.memory_space<semaphore_mem>>) {add = true}
    %dma_wait3A_124 = arith.constant 0 : i32
    %dma_wait3A_125 = tpu.memref_slice %arg3[%dma_wait3A_124] : memref<640000xi32, #tpu.memory_space<hbm>> -> memref<80xi32, #tpu.memory_space<hbm>>
    %dma_wait3A_126 = arith.constant 0 : i32
    %dma_wait3A_127 = tpu.memref_slice %arg3[%dma_wait3A_126] : memref<640000xi32, #tpu.memory_space<hbm>> -> memref<80xi32, #tpu.memory_space<hbm>>
    tpu.wait_dma2 semaphore(%arg18 : memref<!tpu.dma_semaphore, #tpu.memory_space<semaphore_mem>>) src(%dma_wait3A_127 : memref<80xi32, #tpu.memory_space<hbm>>) dst(%arg12 : memref<80xi32, #tpu.memory_space<vmem>>)
    %dma_wait3A_128 = arith.constant 0 : i32
    %dma_wait3A_129 = arith.constant 0 : i32
    %dma_wait3A_130 = tpu.memref_slice %arg2[%dma_wait3A_128, %dma_wait3A_129] : memref<10000x128xf32, #tpu.memory_space<hbm>> -> memref<80x128xf32, #tpu.memory_space<hbm>>
    %dma_wait3A_131 = arith.constant 0 : i32
    %dma_wait3A_132 = arith.constant 0 : i32
    %dma_wait3A_133 = tpu.memref_slice %arg2[%dma_wait3A_131, %dma_wait3A_132] : memref<10000x128xf32, #tpu.memory_space<hbm>> -> memref<80x128xf32, #tpu.memory_space<hbm>>
    tpu.wait_dma2 semaphore(%arg15 : memref<!tpu.dma_semaphore, #tpu.memory_space<semaphore_mem>>) src(%dma_wait3A_133 : memref<80x128xf32, #tpu.memory_space<hbm>>) dst(%arg9 : memref<80x128xf32, #tpu.memory_space<vmem>>)
    %dma_start3A_134 = arith.constant 0 : i32
    %dma_start3A_135 = arith.constant 0 : i32
    %dma_start3A_136 = tpu.memref_slice %arg7[%dma_start3A_134, %dma_start3A_135] : memref<10112x128xf32, #tpu.memory_space<vmem_shared>> -> memref<10112x128xf32, #tpu.memory_space<vmem_shared>>
    tpu.enqueue_indirect_dma source(%arg9 : memref<80x128xf32, #tpu.memory_space<vmem>>) target(%dma_start3A_136 : memref<10112x128xf32, #tpu.memory_space<vmem_shared>>) offsets(%arg12 : memref<80xi32, #tpu.memory_space<vmem>>) semaphore(%arg21 : memref<!tpu.dma_semaphore, #tpu.memory_space<semaphore_mem>>) {add = true}
    %dma_wait3A_137 = arith.constant 0 : i32
    %dma_wait3A_138 = arith.constant 0 : i32
    %dma_wait3A_139 = tpu.memref_slice %arg7[%dma_wait3A_137, %dma_wait3A_138] : memref<10112x128xf32, #tpu.memory_space<vmem_shared>> -> memref<10112x128xf32, #tpu.memory_space<vmem_shared>>
    tpu.wait_indirect_dma semaphore(%arg20 : memref<!tpu.dma_semaphore, #tpu.memory_space<semaphore_mem>>) src(%arg8 : memref<80x128xf32, #tpu.memory_space<vmem>>) dst(%dma_wait3A_139 : memref<10112x128xf32, #tpu.memory_space<vmem_shared>>)
    %dma_wait3A_140 = arith.constant 0 : i32
    %dma_wait3A_141 = arith.constant 0 : i32
    %dma_wait3A_142 = tpu.memref_slice %arg7[%dma_wait3A_140, %dma_wait3A_141] : memref<10112x128xf32, #tpu.memory_space<vmem_shared>> -> memref<10112x128xf32, #tpu.memory_space<vmem_shared>>
    tpu.wait_indirect_dma semaphore(%arg21 : memref<!tpu.dma_semaphore, #tpu.memory_space<semaphore_mem>>) src(%arg9 : memref<80x128xf32, #tpu.memory_space<vmem>>) dst(%dma_wait3A_142 : memref<10112x128xf32, #tpu.memory_space<vmem_shared>>)
    %dma_wait3A_143 = arith.constant 0 : i32
    %dma_wait3A_144 = arith.constant 0 : i32
    %dma_wait3A_145 = tpu.memref_slice %arg7[%dma_wait3A_143, %dma_wait3A_144] : memref<10112x128xf32, #tpu.memory_space<vmem_shared>> -> memref<10112x128xf32, #tpu.memory_space<vmem_shared>>
    tpu.wait_indirect_dma semaphore(%arg22 : memref<!tpu.dma_semaphore, #tpu.memory_space<semaphore_mem>>) src(%arg10 : memref<80x128xf32, #tpu.memory_space<vmem>>) dst(%dma_wait3A_145 : memref<10112x128xf32, #tpu.memory_space<vmem_shared>>)
    %barrier3A_146 = arith.constant 0 : index
    tpu.barrier barrier_id(%barrier3A_146)
    %lt3A = arith.constant 15 : i32
    %lt3A_147 = arith.cmpi slt, %arg1, %lt3A : i32
    %convert_element_type3A = arith.extui %lt3A_147 : i1 to i32
    %cond3A = arith.constant 0 : i32
    %cond3A_148 = arith.cmpi ne, %convert_element_type3A, %cond3A : i32
    scf.if %cond3A_148 {
      %mul3A_153 = arith.constant 632 : i32
      %mul3A_154 = arith.muli %arg1, %mul3A_153 : i32
      %mul3A_155 = arith.constant 10000 : i32
      %mul3A_156 = arith.muli %arg0, %mul3A_155 : i32
      %mul3A_157 = arith.constant 632 : i32
      %mul3A_158 = arith.muli %arg1, %mul3A_157 : i32
      %add3A_159 = arith.addi %mul3A_156, %mul3A_158 : i32
      "tpu.region"() ({
        %run_scoped3A = tpu.sem_alloc : memref<!tpu.dma_semaphore, #tpu.memory_space<semaphore_mem>>
        %dma_start3A_160 = arith.constant 0 : i32
        %dma_start3A_161 = tpu.memref_slice %arg5[%add3A_159, %dma_start3A_160] : memref<20000x128xf32, #tpu.memory_space<hbm>> -> memref<632x128xf32, #tpu.memory_space<hbm>>
        %dma_start3A_162 = arith.constant 0 : i32
        %dma_start3A_163 = tpu.memref_slice %arg7[%mul3A_154, %dma_start3A_162] : memref<10112x128xf32, #tpu.memory_space<vmem_shared>> -> memref<632x128xf32, #tpu.memory_space<vmem_shared>>
        tpu.enqueue_dma source(%dma_start3A_163 : memref<632x128xf32, #tpu.memory_space<vmem_shared>>) target(%dma_start3A_161 : memref<632x128xf32, #tpu.memory_space<hbm>>) target_semaphore(%run_scoped3A : memref<!tpu.dma_semaphore, #tpu.memory_space<semaphore_mem>>)
        %dma_wait3A_164 = arith.constant 0 : i32
        %dma_wait3A_165 = tpu.memref_slice %arg5[%add3A_159, %dma_wait3A_164] : memref<20000x128xf32, #tpu.memory_space<hbm>> -> memref<632x128xf32, #tpu.memory_space<hbm>>
        %dma_wait3A_166 = arith.constant 0 : i32
        %dma_wait3A_167 = tpu.memref_slice %arg7[%mul3A_154, %dma_wait3A_166] : memref<10112x128xf32, #tpu.memory_space<vmem_shared>> -> memref<632x128xf32, #tpu.memory_space<vmem_shared>>
        tpu.wait_dma2 semaphore(%run_scoped3A : memref<!tpu.dma_semaphore, #tpu.memory_space<semaphore_mem>>) src(%dma_wait3A_167 : memref<632x128xf32, #tpu.memory_space<vmem_shared>>) dst(%dma_wait3A_165 : memref<632x128xf32, #tpu.memory_space<hbm>>)
        tpu.yield
      }) : () -> ()
    } else {
    }
    %eq3A = arith.constant 15 : i32
    %eq3A_149 = arith.cmpi eq, %arg1, %eq3A : i32
    %convert_element_type3A_150 = arith.extui %eq3A_149 : i1 to i32
    %cond3A_151 = arith.constant 0 : i32
    %cond3A_152 = arith.cmpi ne, %convert_element_type3A_150, %cond3A_151 : i32
    scf.if %cond3A_152 {
      %mul3A_153 = arith.constant 10000 : i32
      %mul3A_154 = arith.muli %arg0, %mul3A_153 : i32
      %add3A_155 = arith.constant 9480 : i32
      %add3A_156 = arith.addi %mul3A_154, %add3A_155 : i32
      "tpu.region"() ({
        %run_scoped3A = tpu.sem_alloc : memref<!tpu.dma_semaphore, #tpu.memory_space<semaphore_mem>>
        %dma_start3A_157 = arith.constant 0 : i32
        %dma_start3A_158 = tpu.memref_slice %arg5[%add3A_156, %dma_start3A_157] : memref<20000x128xf32, #tpu.memory_space<hbm>> -> memref<520x128xf32, #tpu.memory_space<hbm>>
        %dma_start3A_159 = arith.constant 9480 : i32
        %dma_start3A_160 = arith.constant 0 : i32
        %dma_start3A_161 = tpu.memref_slice %arg7[%dma_start3A_159, %dma_start3A_160] : memref<10112x128xf32, #tpu.memory_space<vmem_shared>> -> memref<520x128xf32, #tpu.memory_space<vmem_shared>>
        tpu.enqueue_dma source(%dma_start3A_161 : memref<520x128xf32, #tpu.memory_space<vmem_shared>>) target(%dma_start3A_158 : memref<520x128xf32, #tpu.memory_space<hbm>>) target_semaphore(%run_scoped3A : memref<!tpu.dma_semaphore, #tpu.memory_space<semaphore_mem>>)
        %dma_wait3A_162 = arith.constant 0 : i32
        %dma_wait3A_163 = tpu.memref_slice %arg5[%add3A_156, %dma_wait3A_162] : memref<20000x128xf32, #tpu.memory_space<hbm>> -> memref<520x128xf32, #tpu.memory_space<hbm>>
        %dma_wait3A_164 = arith.constant 9480 : i32
        %dma_wait3A_165 = arith.constant 0 : i32
        %dma_wait3A_166 = tpu.memref_slice %arg7[%dma_wait3A_164, %dma_wait3A_165] : memref<10112x128xf32, #tpu.memory_space<vmem_shared>> -> memref<520x128xf32, #tpu.memory_space<vmem_shared>>
        tpu.wait_dma2 semaphore(%run_scoped3A : memref<!tpu.dma_semaphore, #tpu.memory_space<semaphore_mem>>) src(%dma_wait3A_166 : memref<520x128xf32, #tpu.memory_space<vmem_shared>>) dst(%dma_wait3A_163 : memref<520x128xf32, #tpu.memory_space<hbm>>)
        tpu.yield
      }) : () -> ()
    } else {
    }
    return
  }
}

module attributes {stable_mosaic.version = 14 : i64} {
  func.func @body(%arg0: i32, %arg1: memref<5000x128xf32, #tpu.memory_space<vmem>>, %arg2: memref<5000x128xf32, #tpu.memory_space<vmem>>, %arg3: memref<5000x128xf32, #tpu.memory_space<vmem>>, %arg4: memref<128x128xf32, #tpu.memory_space<vmem>>, %arg5: memref<1x128xf32, #tpu.memory_space<vmem>>, %arg6: memref<5000x128xf32, #tpu.memory_space<vmem>>) attributes {dimension_semantics = [#tpu.dimension_semantics<arbitrary>], iteration_bounds = array<i64: 2>, scalar_prefetch = 0 : i64, scratch_operands = 0 : i64, tpu.core_type = #tpu.core_type<tc>, window_params = [{transform_indices = @transform_0, window_bounds = array<i64: 5000, 128>}, {transform_indices = @transform_1, window_bounds = array<i64: 5000, 128>}, {transform_indices = @transform_2, window_bounds = array<i64: 5000, 128>}, {pipeline_mode = #tpu.pipeline_mode<synchronous>, transform_indices = @transform_3, window_bounds = array<i64: 128, 128>}, {pipeline_mode = #tpu.pipeline_mode<synchronous>, transform_indices = @transform_4, window_bounds = array<i64: 1, 128>}, {transform_indices = @transform_5, window_bounds = array<i64: 5000, 128>}]} {
    %get3A = arith.constant 0 : index
    %get3A_0 = arith.constant 0 : index
    %get3A_1 = vector.load %arg2[%get3A, %get3A_0] : memref<5000x128xf32, #tpu.memory_space<vmem>>, vector<5000x128xf32>
    %get3A_2 = arith.constant 0 : index
    %get3A_3 = arith.constant 0 : index
    %get3A_4 = vector.load %arg3[%get3A_2, %get3A_3] : memref<5000x128xf32, #tpu.memory_space<vmem>>, vector<5000x128xf32>
    %add3A = arith.addf %get3A_1, %get3A_4 : vector<5000x128xf32>
    %get3A_5 = arith.constant 0 : index
    %get3A_6 = arith.constant 0 : index
    %get3A_7 = vector.load %arg4[%get3A_5, %get3A_6] : memref<128x128xf32, #tpu.memory_space<vmem>>, vector<128x128xf32>
    %dot_general3A = arith.constant dense<0.000000e+00> : vector<5000x128xf32>
    %dot_general3A_8 = tpu.matmul %add3A, %get3A_7, %dot_general3A {dimension_numbers = #tpu.dot_dimension_numbers<[1], [0], [0], [1], [0, 0, 1, 1], [], []>, transpose_lhs_hint = false} : vector<5000x128xf32>, vector<128x128xf32>, vector<5000x128xf32> -> vector<5000x128xf32>
    %get3A_9 = arith.constant 0 : index
    %get3A_10 = arith.constant 0 : index
    %get3A_11 = vector.load %arg1[%get3A_9, %get3A_10] : memref<5000x128xf32, #tpu.memory_space<vmem>>, vector<5000x128xf32>
    %get3A_12 = arith.constant 0 : index
    %get3A_13 = arith.constant 0 : index
    %get3A_14 = vector.load %arg5[%get3A_12, %get3A_13] : memref<1x128xf32, #tpu.memory_space<vmem>>, vector<1x128xf32>
    %add3A_15 = vector.broadcast %get3A_14 : vector<1x128xf32> to vector<5000x128xf32>
    %add3A_16 = arith.addf %dot_general3A_8, %add3A_15 : vector<5000x128xf32>
    %max3A = arith.constant 0.000000e+00 : f32
    %max3A_17 = vector.broadcast %max3A : f32 to vector<5000x128xf32>
    %max3A_18 = arith.maximumf %add3A_16, %max3A_17 : vector<5000x128xf32>
    %add3A_19 = arith.addf %get3A_11, %max3A_18 : vector<5000x128xf32>
    %swap3A = arith.constant 0 : index
    %swap3A_20 = arith.constant 0 : index
    %swap3A_21 = vector.load %arg6[%swap3A, %swap3A_20] : memref<5000x128xf32, #tpu.memory_space<vmem>>, vector<5000x128xf32>
    tpu.vector_store %arg6[%swap3A, %swap3A_20], %add3A_19 {strides = array<i32>} : memref<5000x128xf32, #tpu.memory_space<vmem>>, vector<5000x128xf32>,
    return
  }
  func.func @transform_0(%arg0: i32) -> (i32, i32) {
    %c0_i32 = arith.constant 0 : i32
    %c0_i32_0 = arith.constant 0 : i32
    return %arg0, %c0_i32 : i32, i32
  }
  func.func @transform_1(%arg0: i32) -> (i32, i32) {
    %c0_i32 = arith.constant 0 : i32
    %c0_i32_0 = arith.constant 0 : i32
    return %arg0, %c0_i32 : i32, i32
  }
  func.func @transform_2(%arg0: i32) -> (i32, i32) {
    %add3A = arith.constant 2 : i32
    %add3A_0 = arith.addi %arg0, %add3A : i32
    %c0_i32 = arith.constant 0 : i32
    %c0_i32_1 = arith.constant 0 : i32
    return %add3A_0, %c0_i32 : i32, i32
  }
  func.func @transform_3(%arg0: i32) -> (i32, i32) {
    %c0_i32 = arith.constant 0 : i32
    %c0_i32_0 = arith.constant 0 : i32
    %c0_i32_1 = arith.constant 0 : i32
    return %c0_i32, %c0_i32_0 : i32, i32
  }
  func.func @transform_4(%arg0: i32) -> (i32, i32) {
    %c0_i32 = arith.constant 0 : i32
    %c0_i32_0 = arith.constant 0 : i32
    %c0_i32_1 = arith.constant 0 : i32
    return %c0_i32, %c0_i32_0 : i32, i32
  }
  func.func @transform_5(%arg0: i32) -> (i32, i32) {
    %c0_i32 = arith.constant 0 : i32
    %c0_i32_0 = arith.constant 0 : i32
    return %arg0, %c0_i32 : i32, i32
  }
}

</mosaic_0001>

<sc_bundles>
// kernel: kernel.4.cloned.1.call-start
scs
__scs_entry_jumppad:
0x0: {  	(pc) =	sbr.rel $0x88, $3  }
0x1: {  	(tag) =	ssettag $0x0;
	lr =	simm.s32 $0x1  }
0x2: {  	[smem:$0x3F9D] =	sst lr;
	_ =	strace $0xD0000000  }
0x3: {  	_ = 	snop  }
0x4: {  	_ = 	snop  }
0x5: {  	_ = 	snop  }
0x6: {  	_ = 	snop  }
0x7: {  	_ = 	snop  }
__scs_overlays_trampoline_lowered:
0x8: {  	[smem:$0x3FAC] =	sst s0  }
0x9: {  	[smem:$0x3FAD] =	sst s1  }
0xa: {  	[smem:$0x3FAE] =	sst s2  }
0xb: {  	[smem:$0x3FAF] =	sst s3  }
0xc: {  	[smem:$0x3FB0] =	sst s4  }
0xd: {  	[smem:$0x3FB1] =	sst s5  }
0xe: {  	[smem:$0x3FB2] =	sst s6  }
0xf: {  	[smem:$0x3FB3] =	sst s7  }
0x10: {  	[smem:$0x3FB4] =	sst s8  }
0x11: {  	[smem:$0x3FB5] =	sst s9;
	s0 =	simm.s32 @!p0 $0x0  }
0x12: {  	s1 =	sld [smem:$0x3F9B];
	s0 =	simm.s32 @p0 $0x1  }
0x13: {  	[smem:$0x3FB6] =	sst s0;
	s0 =	simm.s32 @!p1 $0x0  }
0x14: {  	s2 =	sld [smem:$0x3F9A];
	s0 =	simm.s32 @p1 $0x1  }
0x15: {  	[smem:$0x3FB7] =	sst s0;
	s0 =	simm.s32 @!p2 $0x0  }
0x16: {  	s3 =	sld [smem:$0x3FDB];
	s0 =	simm.s32 @p2 $0x1  }
0x17: {  	s4 =	simm.s32 $0x1BF5;
	[smem:$0x3FB9] =	sst s0  }
0x18: {  	s0 =	sld [smem:$0x3F9C];
	_ =	swait.ge [sflag:s4], $0x0  }
0x19: {  	s7 =	sld [smem:$0x3F9D]  }
0x1a: {  	s8 =	sadd.s32 $0xFFFFE003, lr  }
0x1b: {  	s9 =	sadd.s32 $0xFFFFFEF7, lr;
	s5 =	simm.s32 $0xFFFFFFFF;
	p2 =	slt.u32 s8, $0xFFFFF086  }
0x1c: {  	p1 =	slt.u32 s9, $0xF7A;
	s5 =	simm.s32 @!p2 $0x0  }
0x1d: {  	s5 =	simm.s32 @p1 $0x1;
	p0 =	seq.s32 s7, s2  }
0x1e: {  	s7 =	smul.u32 @!p0 $0xF7A, s2;
	p2 =	seq.s32 @!p0 s5, $0x0  }
0x1f: {  	s9 =	smul.u32 $0xF7A, s1;
	s8 =	simm.s32 @!p0 $0x1BF5;
	p2 =	por !p2, p0  }
0x20: {  	[sflag:s8] =	ssyncset.s32 @!p0 $0xFFFFF086;
	s6 =	sadd.s32 @!p0 s3, s7;
	s7 =	simm.s32 @!p0 $0x108  }
0x21: {  	s3 =	sadd.s32 s3, s9;
	s6 =	sadd.s32 @!p0 $0x88, s6;
	s7 =	simm.s32 @p2 $0x1082  }
0x22: {  	[simem:s7], [sflag:s8] =	dma.local @!p0 [hbm:s6], $0xF7A  }
0x23: {  	s9 =	sor.u32 $0xD0000000, s2;
	s6 =	simm.s32 $0x108;
	_ =	swait.ge @!p0 [sflag:s8], $0x0  }
0x24: {  	s3 =	sadd.s32 $0x88, s3;
	s6 =	simm.s32 @!p1 $0x1082;
	[sflag:s4] =	ssyncset.s32 $0xFFFFF086  }
0x25: {  	[simem:s6], [sflag:s4] =	dma.local [hbm:s3], $0xF7A  }
0x26: {  	[smem:$0x3F9D] =	sst s1;
	(tag) =	ssettag s2;
	_ =	strace s9  }
0x27: {  	s1 =	sld [smem:$0x3FAD]  }
0x28: {  	s2 =	sld [smem:$0x3FAE]  }
0x29: {  	s4 =	sld [smem:$0x3FB0]  }
0x2a: {  	p0 =	seq.s32 s5, $0x0;
	s5 =	sld [smem:$0x3FB1]  }
0x2b: {  	s6 =	sld [smem:$0x3FB2]  }
0x2c: {  	s7 =	sld [smem:$0x3FB3]  }
0x2d: {  	s3 =	simm.s32 $0x108;
	s8 =	sld [smem:$0x3FB4]  }
0x2e: {  	s3 =	simm.s32 @!p0 $0x1082;
	s9 =	sld [smem:$0x3FB5]  }
0x2f: {  	lr =	sadd.s32 s0, s3;
	s0 =	sld [smem:$0x3FAC]  }
0x30: {  	s3 =	sld [smem:$0x3FAF]  }
0x31: {  	[smem:$0x3FB8] =	sst s10  }
0x32: {  	s10 =	sld [smem:$0x3FB6];
	_ =	sdelay $0x3  }
0x33: {  	p0 =	seq.s32 s10, $0x1;
	s10 =	sld [smem:$0x3FB8];
	_ =	sdelay $0x3  }
0x34: {  	[smem:$0x3FB8] =	sst s10  }
0x35: {  	s10 =	sld [smem:$0x3FB7];
	_ =	sdelay $0x3  }
0x36: {  	p1 =	seq.s32 s10, $0x1;
	s10 =	sld [smem:$0x3FB8];
	_ =	sdelay $0x3  }
0x37: {  	[smem:$0x3FB8] =	sst s10  }
0x38: {  	s10 =	sld [smem:$0x3FB9]  }
0x39: {  	_ = 	snop;
	(pc) =	sbr.ind lr, $3  }
0x3a: {  	_ = 	snop  }
0x3b: {  	_ = 	snop  }
0x3c: {  	p2 =	seq.s32 s10, $0x1;
	s10 =	sld [smem:$0x3FB8]  }
0x3d: {  	_ =	shalt  }
0x3e: {  	_ =	shalt  }
0x3f: {  	_ =	shalt  }
0x40: {  	_ =	shalt  }
0x41: {  	_ =	shalt  }
0x42: {  	_ =	shalt  }
0x43: {  	_ =	shalt  }
0x44: {  	_ =	shalt  }
0x45: {  	_ =	shalt  }
0x46: {  	_ =	shalt  }
0x47: {  	_ =	shalt  }
0x48: {  	_ =	shalt  }
0x49: {  	_ =	shalt  }
0x4a: {  	_ =	shalt  }
0x4b: {  	_ =	shalt  }
0x4c: {  	_ =	shalt  }
0x4d: {  	_ =	shalt  }
0x4e: {  	_ =	shalt  }
0x4f: {  	_ =	shalt  }
0x50: {  	_ =	shalt  }
0x51: {  	_ =	shalt  }
0x52: {  	_ =	shalt  }
0x53: {  	_ =	shalt  }
0x54: {  	_ =	shalt  }
0x55: {  	_ =	shalt  }
0x56: {  	_ =	shalt  }
0x57: {  	_ =	shalt  }
0x58: {  	_ =	shalt  }
0x59: {  	_ =	shalt  }
0x5a: {  	_ =	shalt  }
0x5b: {  	_ =	shalt  }
0x5c: {  	_ =	shalt  }
0x5d: {  	_ =	shalt  }
0x5e: {  	_ =	shalt  }
0x5f: {  	_ =	shalt  }
0x60: {  	_ =	shalt  }
0x61: {  	_ =	shalt  }
0x62: {  	_ =	shalt  }
0x63: {  	_ =	shalt  }
0x64: {  	_ =	shalt  }
0x65: {  	_ =	shalt  }
0x66: {  	_ =	shalt  }
0x67: {  	_ =	shalt  }
0x68: {  	_ =	shalt  }
0x69: {  	_ =	shalt  }
0x6a: {  	_ =	shalt  }
0x6b: {  	_ =	shalt  }
0x6c: {  	_ =	shalt  }
0x6d: {  	_ =	shalt  }
0x6e: {  	_ =	shalt  }
0x6f: {  	_ =	shalt  }
0x70: {  	_ =	shalt  }
0x71: {  	_ =	shalt  }
0x72: {  	_ =	shalt  }
0x73: {  	_ =	shalt  }
0x74: {  	_ =	shalt  }
0x75: {  	_ =	shalt  }
0x76: {  	_ =	shalt  }
0x77: {  	_ =	shalt  }
0x78: {  	_ =	shalt  }
0x79: {  	_ =	shalt  }
0x7a: {  	_ =	shalt  }
0x7b: {  	_ =	shalt  }
0x7c: {  	_ =	shalt  }
0x7d: {  	_ =	shalt  }
0x7e: {  	_ =	shalt  }
0x7f: {  	_ =	shalt  }
0x80: {  	_ =	shalt  }
0x81: {  	_ =	shalt  }
0x82: {  	_ =	shalt  }
0x83: {  	_ =	shalt  }
0x84: {  	_ =	shalt  }
0x85: {  	_ =	shalt  }
0x86: {  	_ =	shalt  }
0x87: {  	_ =	shalt  }
.Lfunc_end0:
.L_simem_size_0:
called_computation_lowered:
.L_overlay_start_0:
0x88: {  	s2 =	sld [smem:$0x3FD9]  }
0x89: {  	s3 =	sld [smem:$0x3FFE];
	_ =	sdelay $0x1  }
0x8a: {  	s1 =	srdreg.scid  }
0x8b: {  	s0 =	sand.u32 $0x1, s1  }
0x8c: {  	s17 =	sshll.u32 s0, $0xA;
	s2 =	sadd.s32 s3, s2  }
0x8d: {  	s2 =	sadd.s32 s2, s17  }
0x8e: {  	[smem:$0x3FC4] =	sst s2  }
0x8f: {  	_ = 	snop  }
0x90: {  	s2 =	sld [smem:$0x3FC9]  }
0x91: {  	s18 =	sld [smem:$0x3FD0];
	(tm) =	ssettm $0x1  }
0x92: {  	s4 =	sld [smem:$0x3FFB];
	_ =	sdelay $0x3  }
0x93: {  	_ =	strace s4  }
0x94: {  	s4 =	sld [smem:$0x3FFC];
	_ =	sdelay $0x3  }
0x95: {  	_ =	strace s4  }
0x96: {  	s4 =	sld [smem:$0x3FFD];
	_ =	sdelay $0x3  }
0x97: {  	_ =	strace s4  }
0x98: {  	_ =	strace $0x8FFFFFFF  }
0x99: {  	s19 =	sld [smem:$0x3FDB];
	_ =	sdelay $0x1  }
0x9a: {  	s5 =	simm.s32 $_scs_section_size  }
0x9b: {  	s6 =	simm.s32 $_size__tile_overlayer_lowered;
	s7 =	simm.s32 $_tile_overlayer_lowered  }
0x9c: {  	s22 =	simm.s32 $0x1BFF;
	s21 =	sshll.u32 s7, $0x1;
	s4 =	sadd.s32 s5, s19  }
0x9d: {  	s8 =	simm.s32 $0x0;
	s20 =	sshll.u32 s6, $0x1;
	s6 =	sadd.s32 s21, s4  }
0x9e: {  	[timem:s8], [sflag:s22] =	dma.local [hbm:s6], s20  }
0x9f: {  	_ =	swait.ge [sflag:s22], s20  }
0xa0: {  	s5 =	ssub.s32 $0x0, s20;
	[sflag:s22] =	ssyncset.done $0x0  }
0xa1: {  	[sflag:s22] =	ssyncadd.s32 s5;
	_ =	sdelay $0x1  }
0xa2: {  	s23 =	simm.s32 $0x1B8B  }
0xa3: {  	_ =	swait.ge [sflag:s23], $0x1  }
0xa4: {  	[sflag:s23] =	ssyncset.done $0x0  }
0xa5: {  	s25 =	simm.s32 $0x1B8E;
	s24 =	sld [smem:$0x3FFE];
	[sflag:s23] =	ssyncadd.s32 $0xFFFFFFFF  }
0xa6: {  	s26 =	simm.s32 $execute0_lowered;
	[smem:$0x3FD2] =	sst s25  }
0xa7: {  	s6 =	sshll.u32 s26, $0x1;
	_ =	strace $0x80000046;
	[dreg:$0x1] =	wrdreg $0xFFFFFFFF  }
0xa8: {  	s28 =	simm.s32 $_size_execute0_lowered;
	s4 =	sadd.s32 s4, s6;
	[dreg:$0x0] =	wrdreg $0x0  }
0xa9: {  	s6 =	sshll.u32 s28, $0x1;
	[dreg:$0x2] =	wrdreg s4  }
0xaa: {  	[dreg:$0x3] =	wrdreg s6  }
0xab: {  	[dreg:$0x4] =	wrdreg $0xC0  }
0xac: {  	_ =	task [dreg:s8], $0x5FFFF  }
0xad: {  	[dreg:$0x1] =	wrdreg $0xFFFFFFFF  }
0xae: {  	[dreg:$0x0] =	wrdreg $0x60  }
0xaf: {  	[dreg:$0x2] =	wrdreg s2  }
0xb0: {  	[dreg:$0x3] =	wrdreg s18  }
0xb1: {  	[dreg:$0x4] =	wrdreg s24  }
0xb2: {  	[dreg:$0x5] =	wrdreg $0x27800  }
0xb3: {  	[dreg:$0x6] =	wrdreg $0x9  }
0xb4: {  	_ =	task.clear_ibuf [dreg:s8], $0x7FFFF;
	_ =	strace $0x90000046  }
0xb5: {  	s29 =	simm.s32 $0x9;
	_ =	strace $0x80000048  }
0xb6: {  	_ =	swait.ge [sflag:s29], $0x1  }
0xb7: {  	[sflag:s29] =	ssyncadd.s32 $0xFFFFFFFF  }
0xb8: {  	_ =	strace $0x90000048  }
0xb9: {  	_ =	sfence  }
0xba: {  	s30 =	sld [smem:$0x0];
	_ =	sdelay $0x2  }
0xbb: {  	s31 =	sshll.u32 s1, $0xD;
	s1 =	sshrl.u32 s1, $0x2  }
0xbc: {  	s3 =	sand.u32 $0x4000, s31;
	s1 =	sadd.s32 s1, s30  }
0xbd: {  	s0 =	sor.u32 s3, s0;
	s1 =	sshll.u32 s1, $0x11  }
0xbe: {  	s0 =	sor.u32 s1, s0  }
0xbf: {  	s0 =	sadd.s32 $0x8F2B, s0  }
0xc0: {  	[sflag:s0] =	ssyncadd.remote.s32 $0x1  }
0xc1: {  	_ =	sfence.sel $0xFFFF  }
0xc2: {  	[dreg:$0x0] =	wrdreg $0xFFFFFFFF;
	(pc) =	sbr.abs _section_cstart, $3  }
0xc3: {  	[dreg:$0x1] =	wrdreg $0xFFFFFFFF  }
0xc4: {  	_ =	task.clear_ibuf [dreg:s8], $0x2FFFF;
	_ =	strace $0x9FFFFFFF  }
0xc5: {  	(tm) =	ssettm $0x7FFFFFFF  }
tec
execute0_lowered:
.L_overlay_start_1:
0x0: {  	(tag) =	ssettag $0x1  }
0x1: {  	s1 =	rddreg [dreg:$0x0]  }
0x2: {  	s0 =	rddreg [dreg:$0x1]  }
0x3: {  	s3 =	rddreg [dreg:$0x2]  }
0x4: {  	s2 =	rddreg [dreg:$0x3];
	s4 =	simm.s32 $0x0;
	s5 =	srdreg.scid  }
0x5: {  	s12 =	stileid.u32;
	s28 =	simm.s32 $0x18B80;
	s29 =	simm.s32 $0x1DC80  }
0x6: {  	s31 =	simm.s32 $0x1B380;
	s30 =	simm.s32 $0x1;
	[smem:$0x7FF] =	sst s4  }
0x7: {  	s5 =	sand.u32 $0x1, s5;
	s6 =	sshll.u32 s12, $0x1;
	s8 =	smul.u32 $0x4F000, s12  }
0x8: {  	s9 =	sadd.s32 $0x1200, s3;
	s3 =	sadd.s32 $0x3A00, s3;
	s26 =	smul.u32 $0x2780, s12  }
0x9: {  	s10 =	sshll.u32 s12, $0x6;
	s19 =	smul.u32 $0x4E20, s12;
	p0 =	seq.s32 s12, $0xF  }
0xa: {  	s12 =	simm.s32 $0x9;
	_ =	strace $0x80000047;
	s15 =	smul.u32 $0x27100, s5  }
0xb: {  	s7 =	ssub.s32 $0x2, s5;
	s6 =	sor.u32 s5, s6;
	s17 =	smul.u32 $0x138800, s5  }
0xc: {  	[dreg:$0x5] =	wrdreg s9;
	s10 =	sor.u32 $0x1C0A, s10;
	s5 =	smul.u32 $0x2710, s5  }
0xd: {  	s24 =	sshrl.u32 s7, $0x1;
	s6 =	smul.u32 $0x2710, s6;
	s25 =	sshrl.u32 s8, $0x2  }
0xe: {  	[dreg:$0x7] =	wrdreg s10;
	s8 =	sadd.s32 $0x128400, s2;
	s10 =	simm.s32 $0x8  }
0xf: {  	s9 =	ssub.s32 s7, s24;
	s13 =	sadd.s32 s25, s2;
	s21 =	sshrl.u32 s17, $0x3  }
0x10: {  	s5 =	sadd.s32 s5, s19;
	s6 =	sshrl.u32 s6, $0x3;
	s22 =	smax.u32 s9, $0x1  }
0x11: {  	s23 =	sadd.s32 $0x4E390, s5;
	s24 =	sadd.s32 $0x4E340, s5;
	s5 =	sadd.s32 $0x4E2F0, s5  }
0x12: {  	[dreg:$0x6] =	wrdreg s13;
	s9 =	simm.s32 $0x2;
	s7 =	sadd.s32 s0, s6  }
0x13: {  	s6 =	sadd.s32 s26, s15;
	[dreg:$0xf] =	wrdreg s22;
	s25 =	sshrl.u32 s24, $0x3  }
0x14: {  	s5 =	sshrl.u32 s5, $0x3;
	s26 =	sshrl.u32 s13, $0x3;
	s22 =	simm.s32 $0x1DB80  }
0x15: {  	s24 =	simm.s32 $0x16380;
	s16 =	sadd.s32 $0x9C40, s7;
	[dreg:$0x10] =	wrdreg s26  }
0x16: {  	s13 =	simm.s32 $0x0;
	s11 =	sadd.s32 $0x9C4A, s7;
	[dreg:$0x8] =	wrdreg s16  }
0x17: {  	s18 =	sadd.s32 $0x9C54, s7;
	s14 =	sadd.s32 $0xA10E, s7;
	[dreg:$0x9] =	wrdreg s11  }
0x18: {  	s20 =	sadd.s32 $0xA118, s7;
	s6 =	sadd.s32 s3, s6;
	[dreg:$0xa] =	wrdreg s18  }
0x19: {  	s3 =	sadd.s32 s3, s21;
	s19 =	sadd.s32 s5, s0;
	[dreg:$0xb] =	wrdreg s14  }
0x1a: {  	s21 =	simm.s32 $0xB;
	s26 =	simm.s32 $0x1DC00;
	[dreg:$0xc] =	wrdreg s20  }
0x1b: {  	s5 =	simm.s32 $0x7;
	[dreg:$0xd] =	wrdreg s6;
	s3 =	sadd.s32 $0x25080, s3  }
0x1c: {  	s18 =	sadd.s32 s25, s0;
	s6 =	simm.s32 $0x6;
	s11 =	simm.s32 $0x3  }
0x1d: {  	[dreg:$0xe] =	wrdreg s3;
	s3 =	sshrl.u32 s23, $0x3;
	s23 =	simm.s32 $0x50  }
0x1e: {  	s17 =	sadd.s32 s3, s0;
	s0 =	sshrl.u32 @p0 s8, $0x3;
	s3 =	simm.s32 $0x4  }
0x1f: {  	s8 =	simm.s32 $0x5;
	[dreg:$0x11] =	wrdreg s0;
	s0 =	simm.s32 $0xA  }
.LBB2_1:
0x20: {  	s14 =	rddreg [dreg:$0x5]  }
0x21: {  	s15 =	rddreg [dreg:$0x7]  }
0x22: {  	s16 =	rddreg [dreg:$0x10]  }
0x23: {  	[spmem:s16], [sflag:s15] =	dma.local [hbm:s14], $0x2780  }
0x24: {  	[tilespmem:s4], [sflag:$0xB] =	stream.linear.gather [hbm4b:s7+s4], $0x2710, $0x38;
	[tilespmem:$0x1DD00] =	vst v63  }
0x25: {  	_ =	swait.ge [sflag:s21], $0x2710  }
0x26: {  	[sflag:s21] =	ssyncset.done $0x0  }
0x27: {  	s25 =	rddreg [dreg:$0x8];
	[sflag:s21] =	ssyncadd.s32 $0xFFFFD8F0  }
0x28: {  	[tilespmem:s22], [sflag:$0x4] =	stream.linear.gather [hbm4b:s25+s4], $0x50, $0x38;
	[tilespmem:$0x1DD00] =	vst v63  }
0x29: {  	_ = 	snop  }
0x2a: {  	[tilespmem:s24], [sflag:$0x1] =	stream.indirect.gather [hbm4b:s1+s23], $0x80, s4, s23, $0xb8;
	[tilespmem:$0x1DD00] =	vst v63  }
0x2b: {  	s15 =	rddreg [dreg:$0x9]  }
0x2c: {  	[tilespmem:s26], [sflag:$0x5] =	stream.linear.gather [hbm4b:s15+s4], $0x50, $0x38;
	[tilespmem:$0x1DD00] =	vst v63  }
0x2d: {  	_ = 	snop  }
0x2e: {  	[tilespmem:s28], [sflag:$0x2] =	stream.indirect.gather [hbm4b:s1+s23], $0x80, s23, s23, $0xb8;
	[tilespmem:$0x1DD00] =	vst v63  }
0x2f: {  	s16 =	rddreg [dreg:$0xa]  }
0x30: {  	[tilespmem:s29], [sflag:$0x6] =	stream.linear.gather [hbm4b:s16+s4], $0x50, $0x38;
	[tilespmem:$0x1DD00] =	vst v63  }
0x31: {  	s20 =	simm.s32 $0xA0  }
0x32: {  	[tilespmem:s31], [sflag:$0x3] =	stream.indirect.gather [hbm4b:s1+s23], $0x80, s20, s23, $0xb8;
	[tilespmem:$0x1DD00] =	vst v63  }
0x33: {  	_ =	swait.ge [sflag:s0], $0x2780  }
0x34: {  	[sflag:s0] =	ssyncset.done $0x0  }
0x35: {  	[sflag:s0] =	ssyncadd.s32 $0xFFFFD880  }
0x36: {  	[bflag:$0x0] =	sbarrier.arrive $0xFFFF  }
0x37: {  	_ =	swait.ge [sflag:s3], $0x50  }
0x38: {  	[sflag:s3] =	ssyncset.done $0x0  }
0x39: {  	[sflag:s3] =	ssyncadd.s32 $0xFFFFFFB0  }
0x3a: {  	_ =	swait.ge [sflag:s30], $0x2800  }
0x3b: {  	[sflag:s30] =	ssyncset.done $0x0  }
0x3c: {  	[sflag:s30] =	ssyncadd.s32 $0xFFFFD800  }
0x3d: {  	[spmem:s2] =	stream.indirect.scatter.add.f32 [tilespmem:s24], [sflag:$0x7], $0x80, s22, s23, $0xb8;
	[tilespmem:$0x1DD00] =	vst v63  }
0x3e: {  	_ =	swait.ge [sflag:s5], $0x2800  }
0x3f: {  	[sflag:s5] =	ssyncset.done $0x0  }
0x40: {  	s25 =	sadd.s32 $0x0, s19;
	[sflag:s5] =	ssyncadd.s32 $0xFFFFD800  }
0x41: {  	[tilespmem:s22], [sflag:$0x4] =	stream.linear.gather [hbm4b:s25+s4], $0x50, $0x38;
	[tilespmem:$0x1DD00] =	vst v63  }
0x42: {  	s15 =	simm.s32 $0xF0  }
0x43: {  	[tilespmem:s24], [sflag:$0x1] =	stream.indirect.gather [hbm4b:s1+s23], $0x80, s15, s23, $0xb8;
	[tilespmem:$0x1DD00] =	vst v63  }
0x44: {  	_ =	swait.ge [sflag:s8], $0x50  }
0x45: {  	[sflag:s8] =	ssyncset.done $0x0  }
0x46: {  	[sflag:s8] =	ssyncadd.s32 $0xFFFFFFB0  }
0x47: {  	_ =	swait.ge [sflag:s9], $0x2800  }
0x48: {  	[sflag:s9] =	ssyncset.done $0x0  }
0x49: {  	[sflag:s9] =	ssyncadd.s32 $0xFFFFD800  }
0x4a: {  	[spmem:s2] =	stream.indirect.scatter.add.f32 [tilespmem:s28], [sflag:$0x8], $0x80, s26, s23, $0xb8;
	[tilespmem:$0x1DD00] =	vst v63  }
0x4b: {  	_ =	swait.ge [sflag:s10], $0x2800  }
0x4c: {  	[sflag:s10] =	ssyncset.done $0x0  }
0x4d: {  	s16 =	sadd.s32 $0x0, s18;
	[sflag:s10] =	ssyncadd.s32 $0xFFFFD800  }
0x4e: {  	[tilespmem:s26], [sflag:$0x5] =	stream.linear.gather [hbm4b:s16+s4], $0x50, $0x38;
	[tilespmem:$0x1DD00] =	vst v63  }
0x4f: {  	s20 =	simm.s32 $0x140  }
0x50: {  	[tilespmem:s28], [sflag:$0x2] =	stream.indirect.gather [hbm4b:s1+s23], $0x80, s20, s23, $0xb8;
	[tilespmem:$0x1DD00] =	vst v63  }
0x51: {  	_ =	swait.ge [sflag:s6], $0x50  }
0x52: {  	[sflag:s6] =	ssyncset.done $0x0  }
0x53: {  	[sflag:s6] =	ssyncadd.s32 $0xFFFFFFB0  }
0x54: {  	_ =	swait.ge [sflag:s11], $0x2800  }
0x55: {  	[sflag:s11] =	ssyncset.done $0x0  }
0x56: {  	[sflag:s11] =	ssyncadd.s32 $0xFFFFD800  }
0x57: {  	[spmem:s2] =	stream.indirect.scatter.add.f32 [tilespmem:s31], [sflag:$0x9], $0x80, s29, s23, $0xb8;
	[tilespmem:$0x1DD00] =	vst v63  }
0x58: {  	_ =	swait.ge [sflag:s12], $0x2800  }
0x59: {  	s14 =	simm.s32 $0x190;
	s25 =	sadd.s32 $0x0, s17;
	[sflag:s12] =	ssyncset.done $0x0  }
0x5a: {  	s15 =	simm.s32 $0x1E;
	s16 =	simm.s32 $0x280;
	[sflag:s12] =	ssyncadd.s32 $0xFFFFD800  }
0x5b: {  	[tilespmem:s29], [sflag:$0x6] =	stream.linear.gather [hbm4b:s25+s4], $0x50, $0x38;
	[tilespmem:$0x1DD00] =	vst v63  }
.LBB2_2:
0x5c: {  	[tilespmem:s31], [sflag:$0x3] =	stream.indirect.gather [hbm4b:s1+s23], $0x80, s14, s23, $0xb8;
	[tilespmem:$0x1DD00] =	vst v63  }
0x5d: {  	s20 =	smov.u32 s15;
	s14 =	smov.u32 s16  }
0x5e: {  	p1 =	sne.s32 s15, $0x492;
	s15 =	sadd.s32 $0x1E, s15;
	_ =	swait.ge [sflag:s3], $0x50  }
0x5f: {  	[sflag:s3] =	ssyncset.done $0x0  }
0x60: {  	[sflag:s3] =	ssyncadd.s32 $0xFFFFFFB0  }
0x61: {  	_ =	swait.ge [sflag:s30], $0x2800  }
0x62: {  	[sflag:s30] =	ssyncset.done $0x0  }
0x63: {  	[sflag:s30] =	ssyncadd.s32 $0xFFFFD800  }
0x64: {  	[spmem:s2] =	stream.indirect.scatter.add.f32 [tilespmem:s24], [sflag:$0x7], $0x80, s22, s23, $0xb8;
	[tilespmem:$0x1DD00] =	vst v63  }
0x65: {  	_ =	swait.ge [sflag:s5], $0x2800  }
0x66: {  	[sflag:s5] =	ssyncset.done $0x0  }
0x67: {  	s25 =	sadd.s32 s20, s19;
	[sflag:s5] =	ssyncadd.s32 $0xFFFFD800  }
0x68: {  	[tilespmem:s22], [sflag:$0x4] =	stream.linear.gather [hbm4b:s25+s4], $0x50, $0x38;
	[tilespmem:$0x1DD00] =	vst v63  }
0x69: {  	s25 =	sadd.s32 $0xFFFFFF60, s16  }
0x6a: {  	[tilespmem:s24], [sflag:$0x1] =	stream.indirect.gather [hbm4b:s1+s23], $0x80, s25, s23, $0xb8;
	[tilespmem:$0x1DD00] =	vst v63  }
0x6b: {  	_ =	swait.ge [sflag:s8], $0x50  }
0x6c: {  	[sflag:s8] =	ssyncset.done $0x0  }
0x6d: {  	[sflag:s8] =	ssyncadd.s32 $0xFFFFFFB0  }
0x6e: {  	_ =	swait.ge [sflag:s9], $0x2800  }
0x6f: {  	[sflag:s9] =	ssyncset.done $0x0  }
0x70: {  	[sflag:s9] =	ssyncadd.s32 $0xFFFFD800  }
0x71: {  	[spmem:s2] =	stream.indirect.scatter.add.f32 [tilespmem:s28], [sflag:$0x8], $0x80, s26, s23, $0xb8;
	[tilespmem:$0x1DD00] =	vst v63  }
0x72: {  	_ =	swait.ge [sflag:s10], $0x2800  }
0x73: {  	[sflag:s10] =	ssyncset.done $0x0  }
0x74: {  	s25 =	sadd.s32 s20, s18;
	[sflag:s10] =	ssyncadd.s32 $0xFFFFD800  }
0x75: {  	[tilespmem:s26], [sflag:$0x5] =	stream.linear.gather [hbm4b:s25+s4], $0x50, $0x38;
	[tilespmem:$0x1DD00] =	vst v63  }
0x76: {  	s25 =	sadd.s32 $0xFFFFFFB0, s16  }
0x77: {  	[tilespmem:s28], [sflag:$0x2] =	stream.indirect.gather [hbm4b:s1+s23], $0x80, s25, s23, $0xb8;
	[tilespmem:$0x1DD00] =	vst v63  }
0x78: {  	_ =	swait.ge [sflag:s6], $0x50  }
0x79: {  	[sflag:s6] =	ssyncset.done $0x0  }
0x7a: {  	[sflag:s6] =	ssyncadd.s32 $0xFFFFFFB0  }
0x7b: {  	_ =	swait.ge [sflag:s11], $0x2800  }
0x7c: {  	[sflag:s11] =	ssyncset.done $0x0  }
0x7d: {  	[sflag:s11] =	ssyncadd.s32 $0xFFFFD800  }
0x7e: {  	[spmem:s2] =	stream.indirect.scatter.add.f32 [tilespmem:s31], [sflag:$0x9], $0x80, s29, s23, $0xb8;
	[tilespmem:$0x1DD00] =	vst v63  }
.Ltmp0:
0x7f: {  	_ =	swait.ge [sflag:s12], $0x2800;
	(pc) =	sbr.rel @p1 .LBB2_2-.Ltmp0, $4  }
0x80: {  	[sflag:s12] =	ssyncset.done $0x0  }
0x81: {  	s20 =	sadd.s32 s20, s17;
	[sflag:s12] =	ssyncadd.s32 $0xFFFFD800  }
0x82: {  	[tilespmem:s29], [sflag:$0x6] =	stream.linear.gather [hbm4b:s20+s4], $0x50, $0x38;
	[tilespmem:$0x1DD00] =	vst v63  }
0x83: {  	s16 =	sadd.s32 $0xF0, s16  }
0x84: {  	[tilespmem:s31], [sflag:$0x3] =	stream.indirect.gather [hbm4b:s1+s23], $0x80, s14, s23, $0xb8;
	[tilespmem:$0x1DD00] =	vst v63  }
0x85: {  	_ =	swait.ge [sflag:s3], $0x50  }
0x86: {  	[sflag:s3] =	ssyncset.done $0x0  }
0x87: {  	[sflag:s3] =	ssyncadd.s32 $0xFFFFFFB0  }
0x88: {  	_ =	swait.ge [sflag:s30], $0x2800  }
0x89: {  	[sflag:s30] =	ssyncset.done $0x0  }
0x8a: {  	[sflag:s30] =	ssyncadd.s32 $0xFFFFD800  }
0x8b: {  	[spmem:s2] =	stream.indirect.scatter.add.f32 [tilespmem:s24], [sflag:$0x7], $0x80, s22, s23, $0xb8;
	[tilespmem:$0x1DD00] =	vst v63  }
0x8c: {  	_ =	swait.ge [sflag:s5], $0x2800  }
0x8d: {  	[sflag:s5] =	ssyncset.done $0x0  }
0x8e: {  	s25 =	rddreg [dreg:$0xb];
	[sflag:s5] =	ssyncadd.s32 $0xFFFFD800  }
0x8f: {  	[tilespmem:s22], [sflag:$0x4] =	stream.linear.gather [hbm4b:s25+s4], $0x50, $0x38;
	[tilespmem:$0x1DD00] =	vst v63  }
0x90: {  	s15 =	simm.s32 $0x2670  }
0x91: {  	[tilespmem:s24], [sflag:$0x1] =	stream.indirect.gather [hbm4b:s1+s23], $0x80, s15, s23, $0xb8;
	[tilespmem:$0x1DD00] =	vst v63  }
0x92: {  	_ =	swait.ge [sflag:s8], $0x50  }
0x93: {  	[sflag:s8] =	ssyncset.done $0x0  }
0x94: {  	[sflag:s8] =	ssyncadd.s32 $0xFFFFFFB0  }
0x95: {  	_ =	swait.ge [sflag:s9], $0x2800  }
0x96: {  	[sflag:s9] =	ssyncset.done $0x0  }
0x97: {  	[sflag:s9] =	ssyncadd.s32 $0xFFFFD800  }
0x98: {  	[spmem:s2] =	stream.indirect.scatter.add.f32 [tilespmem:s28], [sflag:$0x8], $0x80, s26, s23, $0xb8;
	[tilespmem:$0x1DD00] =	vst v63  }
0x99: {  	_ =	swait.ge [sflag:s10], $0x2800  }
0x9a: {  	[sflag:s10] =	ssyncset.done $0x0  }
0x9b: {  	s16 =	rddreg [dreg:$0xc];
	[sflag:s10] =	ssyncadd.s32 $0xFFFFD800  }
0x9c: {  	[tilespmem:s26], [sflag:$0x5] =	stream.linear.gather [hbm4b:s16+s4], $0x50, $0x38;
	[tilespmem:$0x1DD00] =	vst v63  }
0x9d: {  	s20 =	simm.s32 $0x26C0  }
0x9e: {  	[tilespmem:s28], [sflag:$0x2] =	stream.indirect.gather [hbm4b:s1+s23], $0x80, s20, s23, $0xb8;
	[tilespmem:$0x1DD00] =	vst v63  }
0x9f: {  	_ =	swait.ge [sflag:s6], $0x50  }
0xa0: {  	[sflag:s6] =	ssyncset.done $0x0  }
0xa1: {  	[sflag:s6] =	ssyncadd.s32 $0xFFFFFFB0  }
0xa2: {  	_ =	swait.ge [sflag:s11], $0x2800  }
0xa3: {  	[sflag:s11] =	ssyncset.done $0x0  }
0xa4: {  	[sflag:s11] =	ssyncadd.s32 $0xFFFFD800  }
0xa5: {  	[spmem:s2] =	stream.indirect.scatter.add.f32 [tilespmem:s31], [sflag:$0x9], $0x80, s29, s23, $0xb8;
	[tilespmem:$0x1DD00] =	vst v63  }
0xa6: {  	_ =	swait.ge [sflag:s3], $0x50  }
0xa7: {  	[sflag:s3] =	ssyncset.done $0x0  }
0xa8: {  	[sflag:s3] =	ssyncadd.s32 $0xFFFFFFB0  }
0xa9: {  	_ =	swait.ge [sflag:s30], $0x2800  }
0xaa: {  	[sflag:s30] =	ssyncset.done $0x0  }
0xab: {  	[sflag:s30] =	ssyncadd.s32 $0xFFFFD800  }
0xac: {  	[spmem:s2] =	stream.indirect.scatter.add.f32 [tilespmem:s24], [sflag:$0x7], $0x80, s22, s23, $0xb8;
	[tilespmem:$0x1DD00] =	vst v63  }
0xad: {  	_ =	swait.ge [sflag:s8], $0x50  }
0xae: {  	[sflag:s8] =	ssyncset.done $0x0  }
0xaf: {  	[sflag:s8] =	ssyncadd.s32 $0xFFFFFFB0  }
0xb0: {  	_ =	swait.ge [sflag:s9], $0x2800  }
0xb1: {  	[sflag:s9] =	ssyncset.done $0x0  }
0xb2: {  	[sflag:s9] =	ssyncadd.s32 $0xFFFFD800  }
0xb3: {  	[spmem:s2] =	stream.indirect.scatter.add.f32 [tilespmem:s28], [sflag:$0x8], $0x80, s26, s23, $0xb8;
	[tilespmem:$0x1DD00] =	vst v63  }
0xb4: {  	_ =	swait.ge [sflag:s5], $0x2800  }
0xb5: {  	[sflag:s5] =	ssyncset.done $0x0  }
0xb6: {  	[sflag:s5] =	ssyncadd.s32 $0xFFFFD800  }
0xb7: {  	_ =	swait.ge [sflag:s10], $0x2800  }
0xb8: {  	[sflag:s10] =	ssyncset.done $0x0  }
0xb9: {  	[sflag:s10] =	ssyncadd.s32 $0xFFFFD800  }
0xba: {  	_ =	swait.ge [sflag:s12], $0x2800  }
0xbb: {  	[sflag:s12] =	ssyncset.done $0x0  }
0xbc: {  	[sflag:s12] =	ssyncadd.s32 $0xFFFFD800  }
0xbd: {  	[bflag:$0x0] =	sbarrier.arrive $0xFFFF  }
0xbe: {  	s15 =	rddreg [dreg:$0xe]  }
0xbf: {  	s14 =	simm.s32 @p0 $0x1FCB;
	s16 =	rddreg [dreg:$0x11]  }
0xc0: {  	[hbm:s15], [sflag:s14] =	dma.local @p0 [spmem:s16], $0x2080  }
0xc1: {  	s14 =	simm.s32 @p0 $0xB  }
0xc2: {  	s15 =	stileid.u32;
	_ =	swait.ge @p0 [sflag:s14], $0x2080  }
0xc3: {  	s15 =	sshll.u32 @!p0 s15, $0x6;
	[sflag:s14] =	ssyncset.done @p0 $0x0  }
0xc4: {  	[sflag:s14] =	ssyncadd.s32 @p0 $0xFFFFDF80;
	s14 =	sor.u32 @!p0 $0x1C0B, s15;
	s15 =	rddreg [dreg:$0x6]  }
0xc5: {  	s16 =	rddreg [dreg:$0xd];
	s15 =	sshrl.u32 @!p0 s15, $0x3  }
0xc6: {  	[hbm:s16], [sflag:s14] =	dma.local @!p0 [spmem:s15], $0x2780  }
0xc7: {  	s14 =	simm.s32 @!p0 $0xB  }
0xc8: {  	_ =	swait.ge @!p0 [sflag:s14], $0x2780  }
0xc9: {  	s13 =	sadd.s32 $0x1, s13;
	s25 =	rddreg [dreg:$0xf]  }
0xca: {  	p1 =	sne.s32 s13, s25  }
.Ltmp1:
0xcb: {  	_ = 	snop;
	(pc) =	sbr.rel @p1 .LBB2_1-.Ltmp1, $3  }
0xcc: {  	_ =	sdelay $0x1  }
0xcd: {  	[sflag:s14] =	ssyncset.done @!p0 $0x0  }
0xce: {  	[sflag:s14] =	ssyncadd.s32 @!p0 $0xFFFFD880  }
0xcf: {  	_ =	sfence.sel $0x180000  }
0xd0: {  	[bflag:$0x0] =	sbarrier.arrive $0xFFFF  }
0xd1: {  	_ =	strace $0x90000047  }
0xd2: {  	s0 =	stileid.u32;
	[bflag:$0x2] =	sbarrier.arrive $0xFFFF  }
0xd3: {  	p0 =	sne.s32 s0, $0x0;
	s0 =	rddreg [dreg:$0x4]  }
0xd4: {  	s0 =	sadd.s32 @!p0 $0x100000, s0  }
0xd5: {  	[sflag:s0] =	ssyncadd.tile.s32 @!p0 $0x1;
	_ =	shalt  }
.Lfunc_end2:
_tile_overlayer_lowered:
.L_overlay_start_2:
0xd6: {  	(tag) =	ssettag $0x2  }
0xd7: {  	s0 =	rddreg [dreg:$0x0];
	s2 =	stileid.u32  }
0xd8: {  	s1 =	rddreg [dreg:$0x1];
	p0 =	sne.s32 s2, $0x0  }
0xd9: {  	s3 =	rddreg [dreg:$0x2];
	[bflag:$0x3] =	sbarrier.arrive $0xFFFF;
	s2 =	simm.s32 @!p0 $0x1C0B  }
0xda: {  	[timem:s3], [sflag:s2] =	dma.local @!p0 [hbm:s0], s1  }
0xdb: {  	s0 =	simm.s32 @!p0 $0xB  }
0xdc: {  	_ =	swait.ge @!p0 [sflag:s0], s1  }
0xdd: {  	s1 =	ssub.s32 @!p0 $0x0, s1;
	[sflag:s0] =	ssyncset.done @!p0 $0x0  }
0xde: {  	[sflag:s0] =	ssyncadd.s32 @!p0 s1  }
0xdf: {  	[bflag:$0x3] =	sbarrier.arrive $0xFFFF  }
0xe0: {  	_ =	shalt  }

</sc_bundles>
